<compile_context>
chip_gen: v7x
topology: tpu7x:2x2x1
jax: 0.10.2.dev20260603
libtpu: 0.0.44.dev20260713+nightly
codegen_flags: <defaults>
</compile_context>

<pallas_src>
import functools

import jax
import jax.numpy as jnp
from jax import lax
from jax.experimental import pallas as pl
from jax.experimental.pallas import tpu as pltpu
from jax.experimental.pallas import tpu_sc as plsc

_N = 10000
_E = 320000
_D = 128

_NC = 2
_NS = 16
_NW = _NC * _NS
_K = 128
_G = 79
_B = 8
_NB = 10
_EPAD = _NW * _G * _K
_DPAD = _NW * _NB * _B * _K
_NP = 10016
_RPS = _NP // _NS


@functools.partial(
    pl.kernel,
    out_type=(
        jax.ShapeDtypeStruct((_NC, _NS, _RPS, _D), jnp.float32),
        jax.ShapeDtypeStruct((_NC, _NS, _RPS, _D), jnp.float32),
    ),
    mesh=plsc.VectorSubcoreMesh(core_axis_name="c", subcore_axis_name="s"),
    scratch_types=[
        pltpu.VMEM((_G, _K), jnp.int32),
        pltpu.VMEM((2, _B, _K), jnp.int32),
        pltpu.VMEM((_K, _D), jnp.float32),
        pltpu.VMEM((_K, _D), jnp.float32),
        pltpu.VMEM_SHARED((_NP, _D), jnp.float32),
        pltpu.SemaphoreType.DMA,
        pltpu.SemaphoreType.DMA,
        pltpu.SemaphoreType.DMA,
    ],
)
def _sc_scatter(h_hbm, src_hbm, dst_hbm, psum_hbm, pdeg_hbm,
                src_v, dstblk_v, rows_a, rows_b, acc_sh, ga, gb, gi):
    c = lax.axis_index("c")
    s = lax.axis_index("s")
    wid = c * _NS + s
    base = s * _RPS

    def _fill(buf, val):
        vec = jnp.full((16,), val, jnp.float32)

        def _body(i, carry):
            for j in range(_D // 16):
                buf[i, pl.ds(j * 16, 16)] = vec
            return carry

        lax.fori_loop(0, _K, _body, 0)

    def _zero_acc_slice():
        for k in range(_RPS // _K):
            pltpu.sync_copy(rows_a, acc_sh.at[pl.ds(base + k * _K, _K)])
        rem = _RPS % _K
        if rem:
            off = base + (_RPS // _K) * _K
            pltpu.sync_copy(rows_a.at[pl.ds(0, rem)], acc_sh.at[pl.ds(off, rem)])

    def _dst_prefetch_step(g):
        @pl.when((g & 7) == 0)
        def _():
            pltpu.make_async_copy(dst_hbm.at[wid, 0], dstblk_v.at[0], gi).wait()
            nb = jnp.minimum((g >> 3) + 1, _NB - 1)
            pltpu.async_copy(dst_hbm.at[wid, nb], dstblk_v.at[nb & 1], gi)

    def _dst_idx(g):
        return dstblk_v.at[(g >> 3) & 1, g & 7]

    def _gather(g, buf, sem):
        pltpu.async_copy(h_hbm.at[src_v.at[g]], buf, sem)

    def _gather_wait(buf, sem):
        pltpu.make_async_copy(h_hbm.at[src_v.at[0]], buf, sem).wait()

    _fill(rows_a, 0.0)
    _zero_acc_slice()

    pltpu.sync_copy(src_hbm.at[wid], src_v)
    pltpu.async_copy(dst_hbm.at[wid, 0], dstblk_v.at[0], gi)

    plsc.subcore_barrier()

    _gather(0, rows_a, ga)
    _gather(1, rows_b, gb)

    def _edge_chunk(g, carry):
        _dst_prefetch_step(g)
        even = (g & 1) == 0

        @pl.when(even)
        def _a():
            _gather_wait(rows_a, ga)
            pltpu.sync_copy(rows_a, acc_sh.at[_dst_idx(g)], add=True)
            _gather(jnp.minimum(g + 2, _G - 1), rows_a, ga)

        @pl.when(jnp.logical_not(even))
        def _b():
            _gather_wait(rows_b, gb)
            pltpu.sync_copy(rows_b, acc_sh.at[_dst_idx(g)], add=True)
            _gather(jnp.minimum(g + 2, _G - 1), rows_b, gb)

        return carry

    lax.fori_loop(0, _G, _edge_chunk, 0)
    _gather_wait(rows_a, ga)
    _gather_wait(rows_b, gb)
    pltpu.make_async_copy(dst_hbm.at[wid, 0], dstblk_v.at[0], gi).wait()

    plsc.subcore_barrier()

    pltpu.sync_copy(acc_sh.at[pl.ds(base, _RPS)], psum_hbm.at[c, s])

    plsc.subcore_barrier()

    _fill(rows_a, 0.0)
    _zero_acc_slice()
    plsc.subcore_barrier()
    _fill(rows_a, 1.0)
    pltpu.async_copy(dst_hbm.at[wid, 0], dstblk_v.at[0], gi)

    def _deg_chunk(g, carry):
        _dst_prefetch_step(g)
        pltpu.sync_copy(rows_a, acc_sh.at[_dst_idx(g)], add=True)
        return carry

    lax.fori_loop(0, _G, _deg_chunk, 0)
    pltpu.make_async_copy(dst_hbm.at[wid, 0], dstblk_v.at[0], gi).wait()

    plsc.subcore_barrier()

    pltpu.sync_copy(acc_sh.at[pl.ds(base, _RPS)], pdeg_hbm.at[c, s])


def _combine_body(h_ref, p_ref, d_ref, o_ref):
    p0 = p_ref[0].reshape(_NP, _D)[:_N]
    p1 = p_ref[1].reshape(_NP, _D)[:_N]
    d0 = d_ref[0].reshape(_NP, _D)[:_N, 0:1]
    d1 = d_ref[1].reshape(_NP, _D)[:_N, 0:1]
    deg = jnp.maximum(d0 + d1, 1.0)
    o_ref[...] = h_ref[...] - (p0 + p1) / deg


def kernel(H, edge_index):
    src = edge_index[0].astype(jnp.int32)
    dst = edge_index[1].astype(jnp.int32)
    pad_s = _EPAD - _E
    src_p = jnp.concatenate([src, jnp.zeros((pad_s,), jnp.int32)])
    src_p = src_p.reshape(_NW, _G, _K)

    pad_d = _DPAD - _E
    pad_dst = _N + (jnp.arange(pad_d, dtype=jnp.int32) % (_NP - _N))
    dstw = jnp.concatenate([dst, pad_dst[:_NW * _G * _K - _E]]).reshape(_NW, _G, _K)
    tail = pad_dst[_NW * _G * _K - _E:].reshape(_NW, 1, _K)
    dst_p = jnp.concatenate([dstw, tail], axis=1).reshape(_NW, _NB, _B, _K)

    psum, pdeg = _sc_scatter(H, src_p, dst_p)

    out = pl.pallas_call(
        _combine_body,
        out_shape=jax.ShapeDtypeStruct((_N, _D), jnp.float32),
    )(H, psum, pdeg)
    return out

# --- scband reference (transcript-rebuilt; emitter-appended) ---
"""Pipeline reference for scband-graph-laplacian-diffusion-33809982554551 (READ-ONLY COPY).

The authoritative reference and input builder live on the scoring server;
editing this copy changes nothing except your own understanding.
"""

import jax, jax.numpy as jnp
import numpy as np

NUM_NODES = 10000
NUM_EDGES = 320000
D_FEAT = 128

def setup_inputs(seed: int = 0) -> dict:
    key = jax.random.key(seed)
    k1, k2 = jax.random.split(key)
    H = jax.random.normal(k1, (NUM_NODES, D_FEAT), dtype=jnp.float32)
    edge_index = jax.random.randint(k2, (2, NUM_EDGES), 0, NUM_NODES)
    return {"H": H, "edge_index": edge_index}

def reference(H, edge_index):
    # S(H) = H - mean_{u in N_in(v)} H_u  (destination-centric incoming-edge mean)
    src = edge_index[0]
    dst = edge_index[1]
    # deg_in computed from edge_index (mirrors __init__ buffer), clamped to >= 1
    deg_in = jnp.clip(jnp.bincount(dst, length=NUM_NODES), 1).astype(jnp.float32)
    # gather H[src], scatter-add into dst slots
    neigh_sum = jax.ops.segment_sum(H[src], dst, num_segments=NUM_NODES)
    neigh_mean = neigh_sum / deg_in[:, None]
    return H - neigh_mean

if __name__ == "__main__":
    import jax
    _d = setup_inputs()
    print(jax.jit(kernel)(*tuple(_d.values())))

</pallas_src>

<mosaic_0001>
#map = affine_map<(d0, d1) -> (0, 0)>
#map1 = affine_map<(d0, d1) -> (0, 0, 0)>
#map2 = affine_map<(d0, d1) -> (0, 0, 0, 0)>
module attributes {stable_mosaic.version = 14 : i64} {
  func.func @_sc_scatter(%arg0: i32, %arg1: i32, %arg2: memref<10000x128xf32, #tpu.memory_space<hbm>>, %arg3: memref<32x79x128xi32, #tpu.memory_space<hbm>>, %arg4: memref<32x10x8x128xi32, #tpu.memory_space<hbm>>, %arg5: memref<2x16x626x128xf32, #tpu.memory_space<hbm>>, %arg6: memref<2x16x626x128xf32, #tpu.memory_space<hbm>>, %arg7: memref<79x128xi32, #tpu.memory_space<vmem>>, %arg8: memref<2x8x128xi32, #tpu.memory_space<vmem>>, %arg9: memref<128x128xf32, #tpu.memory_space<vmem>>, %arg10: memref<128x128xf32, #tpu.memory_space<vmem>>, %arg11: memref<10016x128xf32, #tpu.memory_space<vmem_shared>>, %arg12: memref<!tpu.dma_semaphore, #tpu.memory_space<semaphore_mem>>, %arg13: memref<!tpu.dma_semaphore, #tpu.memory_space<semaphore_mem>>, %arg14: memref<!tpu.dma_semaphore, #tpu.memory_space<semaphore_mem>>) attributes {dimension_semantics = [#tpu.dimension_semantics<core_parallel>, #tpu.dimension_semantics<subcore_parallel>], iteration_bounds = array<i64: 2, 16>, scalar_prefetch = 0 : i64, scratch_operands = 8 : i64, tpu.core_type = #tpu.core_type<sc_vector_subcore>, window_params = [{transform_indices = #map}, {transform_indices = #map1}, {transform_indices = #map2}, {transform_indices = #map2}, {transform_indices = #map2}]} {
    %mul3A = arith.constant 16 : i32
    %mul3A_0 = arith.muli %arg0, %mul3A : i32
    %add3A = arith.addi %mul3A_0, %arg1 : i32
    %mul3A_1 = arith.constant 626 : i32
    %mul3A_2 = arith.muli %arg1, %mul3A_1 : i32
    %broadcast_in_dim3A = arith.constant 0.000000e+00 : f32
    %broadcast_in_dim3A_3 = vector.broadcast %broadcast_in_dim3A : f32 to vector<16xf32>
    %scan3A = arith.constant 0 : i32
    %scan3A_4 = arith.constant 0 : i32
    %scan3A_5 = arith.constant 128 : i32
    %scan3A_6 = arith.addi %scan3A_4, %scan3A_5 : i32
    %scan3A_7 = arith.constant 1 : i32
    scf.for %scan3A_159 = %scan3A_4 to %scan3A_6 step %scan3A_7  : i32 {
      %swap3A = arith.index_cast %scan3A_159 : i32 to index
      %swap3A_160 = arith.constant 0 : index
      %swap3A_161 = tpu.vector_load %arg9[%swap3A, %swap3A_160] {strides = array<i32>} : memref<128x128xf32, #tpu.memory_space<vmem>>, vector<1x16xf32>,
      %swap3A_162 = vector.shape_cast %swap3A_161 : vector<1x16xf32> to vector<16xf32>
      %swap3A_163 = vector.shape_cast %broadcast_in_dim3A_3 : vector<16xf32> to vector<1x16xf32>
      tpu.vector_store %arg9[%swap3A, %swap3A_160], %swap3A_163 {strides = array<i32>} : memref<128x128xf32, #tpu.memory_space<vmem>>, vector<1x16xf32>,
      %swap3A_164 = arith.index_cast %scan3A_159 : i32 to index
      %swap3A_165 = arith.constant 16 : index
      %swap3A_166 = tpu.vector_load %arg9[%swap3A_164, %swap3A_165] {strides = array<i32>} : memref<128x128xf32, #tpu.memory_space<vmem>>, vector<1x16xf32>,
      %swap3A_167 = vector.shape_cast %swap3A_166 : vector<1x16xf32> to vector<16xf32>
      %swap3A_168 = vector.shape_cast %broadcast_in_dim3A_3 : vector<16xf32> to vector<1x16xf32>
      tpu.vector_store %arg9[%swap3A_164, %swap3A_165], %swap3A_168 {strides = array<i32>} : memref<128x128xf32, #tpu.memory_space<vmem>>, vector<1x16xf32>,
      %swap3A_169 = arith.index_cast %scan3A_159 : i32 to index
      %swap3A_170 = arith.constant 32 : index
      %swap3A_171 = tpu.vector_load %arg9[%swap3A_169, %swap3A_170] {strides = array<i32>} : memref<128x128xf32, #tpu.memory_space<vmem>>, vector<1x16xf32>,
      %swap3A_172 = vector.shape_cast %swap3A_171 : vector<1x16xf32> to vector<16xf32>
      %swap3A_173 = vector.shape_cast %broadcast_in_dim3A_3 : vector<16xf32> to vector<1x16xf32>
      tpu.vector_store %arg9[%swap3A_169, %swap3A_170], %swap3A_173 {strides = array<i32>} : memref<128x128xf32, #tpu.memory_space<vmem>>, vector<1x16xf32>,
      %swap3A_174 = arith.index_cast %scan3A_159 : i32 to index
      %swap3A_175 = arith.constant 48 : index
      %swap3A_176 = tpu.vector_load %arg9[%swap3A_174, %swap3A_175] {strides = array<i32>} : memref<128x128xf32, #tpu.memory_space<vmem>>, vector<1x16xf32>,
      %swap3A_177 = vector.shape_cast %swap3A_176 : vector<1x16xf32> to vector<16xf32>
      %swap3A_178 = vector.shape_cast %broadcast_in_dim3A_3 : vector<16xf32> to vector<1x16xf32>
      tpu.vector_store %arg9[%swap3A_174, %swap3A_175], %swap3A_178 {strides = array<i32>} : memref<128x128xf32, #tpu.memory_space<vmem>>, vector<1x16xf32>,
      %swap3A_179 = arith.index_cast %scan3A_159 : i32 to index
      %swap3A_180 = arith.constant 64 : index
      %swap3A_181 = tpu.vector_load %arg9[%swap3A_179, %swap3A_180] {strides = array<i32>} : memref<128x128xf32, #tpu.memory_space<vmem>>, vector<1x16xf32>,
      %swap3A_182 = vector.shape_cast %swap3A_181 : vector<1x16xf32> to vector<16xf32>
      %swap3A_183 = vector.shape_cast %broadcast_in_dim3A_3 : vector<16xf32> to vector<1x16xf32>
      tpu.vector_store %arg9[%swap3A_179, %swap3A_180], %swap3A_183 {strides = array<i32>} : memref<128x128xf32, #tpu.memory_space<vmem>>, vector<1x16xf32>,
      %swap3A_184 = arith.index_cast %scan3A_159 : i32 to index
      %swap3A_185 = arith.constant 80 : index
      %swap3A_186 = tpu.vector_load %arg9[%swap3A_184, %swap3A_185] {strides = array<i32>} : memref<128x128xf32, #tpu.memory_space<vmem>>, vector<1x16xf32>,
      %swap3A_187 = vector.shape_cast %swap3A_186 : vector<1x16xf32> to vector<16xf32>
      %swap3A_188 = vector.shape_cast %broadcast_in_dim3A_3 : vector<16xf32> to vector<1x16xf32>
      tpu.vector_store %arg9[%swap3A_184, %swap3A_185], %swap3A_188 {strides = array<i32>} : memref<128x128xf32, #tpu.memory_space<vmem>>, vector<1x16xf32>,
      %swap3A_189 = arith.index_cast %scan3A_159 : i32 to index
      %swap3A_190 = arith.constant 96 : index
      %swap3A_191 = tpu.vector_load %arg9[%swap3A_189, %swap3A_190] {strides = array<i32>} : memref<128x128xf32, #tpu.memory_space<vmem>>, vector<1x16xf32>,
      %swap3A_192 = vector.shape_cast %swap3A_191 : vector<1x16xf32> to vector<16xf32>
      %swap3A_193 = vector.shape_cast %broadcast_in_dim3A_3 : vector<16xf32> to vector<1x16xf32>
      tpu.vector_store %arg9[%swap3A_189, %swap3A_190], %swap3A_193 {strides = array<i32>} : memref<128x128xf32, #tpu.memory_space<vmem>>, vector<1x16xf32>,
      %swap3A_194 = arith.index_cast %scan3A_159 : i32 to index
      %swap3A_195 = arith.constant 112 : index
      %swap3A_196 = tpu.vector_load %arg9[%swap3A_194, %swap3A_195] {strides = array<i32>} : memref<128x128xf32, #tpu.memory_space<vmem>>, vector<1x16xf32>,
      %swap3A_197 = vector.shape_cast %swap3A_196 : vector<1x16xf32> to vector<16xf32>
      %swap3A_198 = vector.shape_cast %broadcast_in_dim3A_3 : vector<16xf32> to vector<1x16xf32>
      tpu.vector_store %arg9[%swap3A_194, %swap3A_195], %swap3A_198 {strides = array<i32>} : memref<128x128xf32, #tpu.memory_space<vmem>>, vector<1x16xf32>,
    }
    %scan3A_8 = arith.constant 128 : i32
    %add3A_9 = arith.constant 0 : i32
    %add3A_10 = arith.addi %mul3A_2, %add3A_9 : i32
    "tpu.region"() ({
      %run_scoped3A = tpu.sem_alloc : memref<!tpu.dma_semaphore, #tpu.memory_space<semaphore_mem>>
      %dma_start3A_159 = arith.constant 0 : i32
      %dma_start3A_160 = tpu.memref_slice %arg11[%add3A_10, %dma_start3A_159] : memref<10016x128xf32, #tpu.memory_space<vmem_shared>> -> memref<128x128xf32, #tpu.memory_space<vmem_shared>>
      %dma_start3A_161 = arith.constant 0 : i32
      %dma_start3A_162 = tpu.memref_slice %arg11[%add3A_10, %dma_start3A_161] : memref<10016x128xf32, #tpu.memory_space<vmem_shared>> -> memref<128x128xf32, #tpu.memory_space<vmem_shared>>
      tpu.enqueue_dma source(%arg9 : memref<128x128xf32, #tpu.memory_space<vmem>>) target(%dma_start3A_162 : memref<128x128xf32, #tpu.memory_space<vmem_shared>>) target_semaphore(%run_scoped3A : memref<!tpu.dma_semaphore, #tpu.memory_space<semaphore_mem>>)
      %dma_wait3A_163 = arith.constant 0 : i32
      %dma_wait3A_164 = tpu.memref_slice %arg11[%add3A_10, %dma_wait3A_163] : memref<10016x128xf32, #tpu.memory_space<vmem_shared>> -> memref<128x128xf32, #tpu.memory_space<vmem_shared>>
      %dma_wait3A_165 = arith.constant 0 : i32
      %dma_wait3A_166 = tpu.memref_slice %arg11[%add3A_10, %dma_wait3A_165] : memref<10016x128xf32, #tpu.memory_space<vmem_shared>> -> memref<128x128xf32, #tpu.memory_space<vmem_shared>>
      tpu.wait_dma2 semaphore(%run_scoped3A : memref<!tpu.dma_semaphore, #tpu.memory_space<semaphore_mem>>) src(%arg9 : memref<128x128xf32, #tpu.memory_space<vmem>>) dst(%dma_wait3A_166 : memref<128x128xf32, #tpu.memory_space<vmem_shared>>)
      tpu.yield
    }) : () -> ()
    %add3A_11 = arith.constant 128 : i32
    %add3A_12 = arith.addi %mul3A_2, %add3A_11 : i32
    "tpu.region"() ({
      %run_scoped3A = tpu.sem_alloc : memref<!tpu.dma_semaphore, #tpu.memory_space<semaphore_mem>>
      %dma_start3A_159 = arith.constant 0 : i32
      %dma_start3A_160 = tpu.memref_slice %arg11[%add3A_12, %dma_start3A_159] : memref<10016x128xf32, #tpu.memory_space<vmem_shared>> -> memref<128x128xf32, #tpu.memory_space<vmem_shared>>
      %dma_start3A_161 = arith.constant 0 : i32
      %dma_start3A_162 = tpu.memref_slice %arg11[%add3A_12, %dma_start3A_161] : memref<10016x128xf32, #tpu.memory_space<vmem_shared>> -> memref<128x128xf32, #tpu.memory_space<vmem_shared>>
      tpu.enqueue_dma source(%arg9 : memref<128x128xf32, #tpu.memory_space<vmem>>) target(%dma_start3A_162 : memref<128x128xf32, #tpu.memory_space<vmem_shared>>) target_semaphore(%run_scoped3A : memref<!tpu.dma_semaphore, #tpu.memory_space<semaphore_mem>>)
      %dma_wait3A_163 = arith.constant 0 : i32
      %dma_wait3A_164 = tpu.memref_slice %arg11[%add3A_12, %dma_wait3A_163] : memref<10016x128xf32, #tpu.memory_space<vmem_shared>> -> memref<128x128xf32, #tpu.memory_space<vmem_shared>>
      %dma_wait3A_165 = arith.constant 0 : i32
      %dma_wait3A_166 = tpu.memref_slice %arg11[%add3A_12, %dma_wait3A_165] : memref<10016x128xf32, #tpu.memory_space<vmem_shared>> -> memref<128x128xf32, #tpu.memory_space<vmem_shared>>
      tpu.wait_dma2 semaphore(%run_scoped3A : memref<!tpu.dma_semaphore, #tpu.memory_space<semaphore_mem>>) src(%arg9 : memref<128x128xf32, #tpu.memory_space<vmem>>) dst(%dma_wait3A_166 : memref<128x128xf32, #tpu.memory_space<vmem_shared>>)
      tpu.yield
    }) : () -> ()
    %add3A_13 = arith.constant 256 : i32
    %add3A_14 = arith.addi %mul3A_2, %add3A_13 : i32
    "tpu.region"() ({
      %run_scoped3A = tpu.sem_alloc : memref<!tpu.dma_semaphore, #tpu.memory_space<semaphore_mem>>
      %dma_start3A_159 = arith.constant 0 : i32
      %dma_start3A_160 = tpu.memref_slice %arg11[%add3A_14, %dma_start3A_159] : memref<10016x128xf32, #tpu.memory_space<vmem_shared>> -> memref<128x128xf32, #tpu.memory_space<vmem_shared>>
      %dma_start3A_161 = arith.constant 0 : i32
      %dma_start3A_162 = tpu.memref_slice %arg11[%add3A_14, %dma_start3A_161] : memref<10016x128xf32, #tpu.memory_space<vmem_shared>> -> memref<128x128xf32, #tpu.memory_space<vmem_shared>>
      tpu.enqueue_dma source(%arg9 : memref<128x128xf32, #tpu.memory_space<vmem>>) target(%dma_start3A_162 : memref<128x128xf32, #tpu.memory_space<vmem_shared>>) target_semaphore(%run_scoped3A : memref<!tpu.dma_semaphore, #tpu.memory_space<semaphore_mem>>)
      %dma_wait3A_163 = arith.constant 0 : i32
      %dma_wait3A_164 = tpu.memref_slice %arg11[%add3A_14, %dma_wait3A_163] : memref<10016x128xf32, #tpu.memory_space<vmem_shared>> -> memref<128x128xf32, #tpu.memory_space<vmem_shared>>
      %dma_wait3A_165 = arith.constant 0 : i32
      %dma_wait3A_166 = tpu.memref_slice %arg11[%add3A_14, %dma_wait3A_165] : memref<10016x128xf32, #tpu.memory_space<vmem_shared>> -> memref<128x128xf32, #tpu.memory_space<vmem_shared>>
      tpu.wait_dma2 semaphore(%run_scoped3A : memref<!tpu.dma_semaphore, #tpu.memory_space<semaphore_mem>>) src(%arg9 : memref<128x128xf32, #tpu.memory_space<vmem>>) dst(%dma_wait3A_166 : memref<128x128xf32, #tpu.memory_space<vmem_shared>>)
      tpu.yield
    }) : () -> ()
    %add3A_15 = arith.constant 384 : i32
    %add3A_16 = arith.addi %mul3A_2, %add3A_15 : i32
    "tpu.region"() ({
      %run_scoped3A = tpu.sem_alloc : memref<!tpu.dma_semaphore, #tpu.memory_space<semaphore_mem>>
      %dma_start3A_159 = arith.constant 0 : i32
      %dma_start3A_160 = tpu.memref_slice %arg11[%add3A_16, %dma_start3A_159] : memref<10016x128xf32, #tpu.memory_space<vmem_shared>> -> memref<128x128xf32, #tpu.memory_space<vmem_shared>>
      %dma_start3A_161 = arith.constant 0 : i32
      %dma_start3A_162 = tpu.memref_slice %arg11[%add3A_16, %dma_start3A_161] : memref<10016x128xf32, #tpu.memory_space<vmem_shared>> -> memref<128x128xf32, #tpu.memory_space<vmem_shared>>
      tpu.enqueue_dma source(%arg9 : memref<128x128xf32, #tpu.memory_space<vmem>>) target(%dma_start3A_162 : memref<128x128xf32, #tpu.memory_space<vmem_shared>>) target_semaphore(%run_scoped3A : memref<!tpu.dma_semaphore, #tpu.memory_space<semaphore_mem>>)
      %dma_wait3A_163 = arith.constant 0 : i32
      %dma_wait3A_164 = tpu.memref_slice %arg11[%add3A_16, %dma_wait3A_163] : memref<10016x128xf32, #tpu.memory_space<vmem_shared>> -> memref<128x128xf32, #tpu.memory_space<vmem_shared>>
      %dma_wait3A_165 = arith.constant 0 : i32
      %dma_wait3A_166 = tpu.memref_slice %arg11[%add3A_16, %dma_wait3A_165] : memref<10016x128xf32, #tpu.memory_space<vmem_shared>> -> memref<128x128xf32, #tpu.memory_space<vmem_shared>>
      tpu.wait_dma2 semaphore(%run_scoped3A : memref<!tpu.dma_semaphore, #tpu.memory_space<semaphore_mem>>) src(%arg9 : memref<128x128xf32, #tpu.memory_space<vmem>>) dst(%dma_wait3A_166 : memref<128x128xf32, #tpu.memory_space<vmem_shared>>)
      tpu.yield
    }) : () -> ()
    %add3A_17 = arith.constant 512 : i32
    %add3A_18 = arith.addi %mul3A_2, %add3A_17 : i32
    "tpu.region"() ({
      %run_scoped3A = tpu.sem_alloc : memref<!tpu.dma_semaphore, #tpu.memory_space<semaphore_mem>>
      %dma_start3A_159 = arith.constant 0 : i32
      %dma_start3A_160 = arith.constant 0 : i32
      %dma_start3A_161 = tpu.memref_slice %arg9[%dma_start3A_159, %dma_start3A_160] : memref<128x128xf32, #tpu.memory_space<vmem>> -> memref<114x128xf32, #tpu.memory_space<vmem>>
      %dma_start3A_162 = arith.constant 0 : i32
      %dma_start3A_163 = tpu.memref_slice %arg11[%add3A_18, %dma_start3A_162] : memref<10016x128xf32, #tpu.memory_space<vmem_shared>> -> memref<114x128xf32, #tpu.memory_space<vmem_shared>>
      %dma_start3A_164 = arith.constant 0 : i32
      %dma_start3A_165 = tpu.memref_slice %arg11[%add3A_18, %dma_start3A_164] : memref<10016x128xf32, #tpu.memory_space<vmem_shared>> -> memref<114x128xf32, #tpu.memory_space<vmem_shared>>
      %dma_start3A_166 = arith.constant 0 : i32
      %dma_start3A_167 = arith.constant 0 : i32
      %dma_start3A_168 = tpu.memref_slice %arg9[%dma_start3A_166, %dma_start3A_167] : memref<128x128xf32, #tpu.memory_space<vmem>> -> memref<114x128xf32, #tpu.memory_space<vmem>>
      tpu.enqueue_dma source(%dma_start3A_168 : memref<114x128xf32, #tpu.memory_space<vmem>>) target(%dma_start3A_165 : memref<114x128xf32, #tpu.memory_space<vmem_shared>>) target_semaphore(%run_scoped3A : memref<!tpu.dma_semaphore, #tpu.memory_space<semaphore_mem>>)
      %dma_wait3A_169 = arith.constant 0 : i32
      %dma_wait3A_170 = arith.constant 0 : i32
      %dma_wait3A_171 = tpu.memref_slice %arg9[%dma_wait3A_169, %dma_wait3A_170] : memref<128x128xf32, #tpu.memory_space<vmem>> -> memref<114x128xf32, #tpu.memory_space<vmem>>
      %dma_wait3A_172 = arith.constant 0 : i32
      %dma_wait3A_173 = tpu.memref_slice %arg11[%add3A_18, %dma_wait3A_172] : memref<10016x128xf32, #tpu.memory_space<vmem_shared>> -> memref<114x128xf32, #tpu.memory_space<vmem_shared>>
      %dma_wait3A_174 = arith.constant 0 : i32
      %dma_wait3A_175 = tpu.memref_slice %arg11[%add3A_18, %dma_wait3A_174] : memref<10016x128xf32, #tpu.memory_space<vmem_shared>> -> memref<114x128xf32, #tpu.memory_space<vmem_shared>>
      %dma_wait3A_176 = arith.constant 0 : i32
      %dma_wait3A_177 = arith.constant 0 : i32
      %dma_wait3A_178 = tpu.memref_slice %arg9[%dma_wait3A_176, %dma_wait3A_177] : memref<128x128xf32, #tpu.memory_space<vmem>> -> memref<114x128xf32, #tpu.memory_space<vmem>>
      tpu.wait_dma2 semaphore(%run_scoped3A : memref<!tpu.dma_semaphore, #tpu.memory_space<semaphore_mem>>) src(%dma_wait3A_178 : memref<114x128xf32, #tpu.memory_space<vmem>>) dst(%dma_wait3A_175 : memref<114x128xf32, #tpu.memory_space<vmem_shared>>)
      tpu.yield
    }) : () -> ()
    "tpu.region"() ({
      %run_scoped3A = tpu.sem_alloc : memref<!tpu.dma_semaphore, #tpu.memory_space<semaphore_mem>>
      %dma_start3A_159 = arith.constant 0 : i32
      %dma_start3A_160 = arith.constant 0 : i32
      %dma_start3A_161 = tpu.memref_slice %arg3[%add3A, %dma_start3A_159, %dma_start3A_160] : memref<32x79x128xi32, #tpu.memory_space<hbm>> -> memref<1x79x128xi32, #tpu.memory_space<hbm>>
      %dma_start3A_162 = tpu.memref_squeeze %dma_start3A_161 : memref<1x79x128xi32, #tpu.memory_space<hbm>> -> memref<79x128xi32, #tpu.memory_space<hbm>>
      %dma_start3A_163 = arith.constant 0 : i32
      %dma_start3A_164 = arith.constant 0 : i32
      %dma_start3A_165 = tpu.memref_slice %arg3[%add3A, %dma_start3A_163, %dma_start3A_164] : memref<32x79x128xi32, #tpu.memory_space<hbm>> -> memref<1x79x128xi32, #tpu.memory_space<hbm>>
      %dma_start3A_166 = tpu.memref_squeeze %dma_start3A_165 : memref<1x79x128xi32, #tpu.memory_space<hbm>> -> memref<79x128xi32, #tpu.memory_space<hbm>>
      tpu.enqueue_dma source(%dma_start3A_166 : memref<79x128xi32, #tpu.memory_space<hbm>>) target(%arg7 : memref<79x128xi32, #tpu.memory_space<vmem>>) target_semaphore(%run_scoped3A : memref<!tpu.dma_semaphore, #tpu.memory_space<semaphore_mem>>)
      %dma_wait3A_167 = arith.constant 0 : i32
      %dma_wait3A_168 = arith.constant 0 : i32
      %dma_wait3A_169 = tpu.memref_slice %arg3[%add3A, %dma_wait3A_167, %dma_wait3A_168] : memref<32x79x128xi32, #tpu.memory_space<hbm>> -> memref<1x79x128xi32, #tpu.memory_space<hbm>>
      %dma_wait3A_170 = tpu.memref_squeeze %dma_wait3A_169 : memref<1x79x128xi32, #tpu.memory_space<hbm>> -> memref<79x128xi32, #tpu.memory_space<hbm>>
      %dma_wait3A_171 = arith.constant 0 : i32
      %dma_wait3A_172 = arith.constant 0 : i32
      %dma_wait3A_173 = tpu.memref_slice %arg3[%add3A, %dma_wait3A_171, %dma_wait3A_172] : memref<32x79x128xi32, #tpu.memory_space<hbm>> -> memref<1x79x128xi32, #tpu.memory_space<hbm>>
      %dma_wait3A_174 = tpu.memref_squeeze %dma_wait3A_173 : memref<1x79x128xi32, #tpu.memory_space<hbm>> -> memref<79x128xi32, #tpu.memory_space<hbm>>
      tpu.wait_dma2 semaphore(%run_scoped3A : memref<!tpu.dma_semaphore, #tpu.memory_space<semaphore_mem>>) src(%dma_wait3A_174 : memref<79x128xi32, #tpu.memory_space<hbm>>) dst(%arg7 : memref<79x128xi32, #tpu.memory_space<vmem>>)
      tpu.yield
    }) : () -> ()
    %dma_start3A = arith.constant 0 : i32
    %dma_start3A_19 = arith.constant 0 : i32
    %dma_start3A_20 = arith.constant 0 : i32
    %dma_start3A_21 = arith.constant 0 : i32
    %dma_start3A_22 = tpu.memref_slice %arg8[%dma_start3A_19, %dma_start3A_20, %dma_start3A_21] : memref<2x8x128xi32, #tpu.memory_space<vmem>> -> memref<1x8x128xi32, #tpu.memory_space<vmem>>
    %dma_start3A_23 = tpu.memref_squeeze %dma_start3A_22 : memref<1x8x128xi32, #tpu.memory_space<vmem>> -> memref<8x128xi32, #tpu.memory_space<vmem>>
    %dma_start3A_24 = arith.constant 0 : i32
    %dma_start3A_25 = arith.constant 0 : i32
    %dma_start3A_26 = tpu.memref_slice %arg4[%add3A, %dma_start3A, %dma_start3A_24, %dma_start3A_25] : memref<32x10x8x128xi32, #tpu.memory_space<hbm>> -> memref<1x1x8x128xi32, #tpu.memory_space<hbm>>
    %dma_start3A_27 = tpu.memref_squeeze %dma_start3A_26 : memref<1x1x8x128xi32, #tpu.memory_space<hbm>> -> memref<8x128xi32, #tpu.memory_space<hbm>>
    %dma_start3A_28 = arith.constant 0 : i32
    %dma_start3A_29 = arith.constant 0 : i32
    %dma_start3A_30 = tpu.memref_slice %arg8[%dma_start3A_19, %dma_start3A_28, %dma_start3A_29] : memref<2x8x128xi32, #tpu.memory_space<vmem>> -> memref<1x8x128xi32, #tpu.memory_space<vmem>>
    %dma_start3A_31 = tpu.memref_squeeze %dma_start3A_30 : memref<1x8x128xi32, #tpu.memory_space<vmem>> -> memref<8x128xi32, #tpu.memory_space<vmem>>
    %dma_start3A_32 = arith.constant 0 : i32
    %dma_start3A_33 = arith.constant 0 : i32
    %dma_start3A_34 = tpu.memref_slice %arg4[%add3A, %dma_start3A, %dma_start3A_32, %dma_start3A_33] : memref<32x10x8x128xi32, #tpu.memory_space<hbm>> -> memref<1x1x8x128xi32, #tpu.memory_space<hbm>>
    %dma_start3A_35 = tpu.memref_squeeze %dma_start3A_34 : memref<1x1x8x128xi32, #tpu.memory_space<hbm>> -> memref<8x128xi32, #tpu.memory_space<hbm>>
    tpu.enqueue_dma source(%dma_start3A_35 : memref<8x128xi32, #tpu.memory_space<hbm>>) target(%dma_start3A_31 : memref<8x128xi32, #tpu.memory_space<vmem>>) target_semaphore(%arg14 : memref<!tpu.dma_semaphore, #tpu.memory_space<semaphore_mem>>)
    %barrier3A = arith.constant 0 : index
    tpu.barrier barrier_id(%barrier3A)
    %dma_start3A_36 = arith.constant 0 : i32
    %dma_start3A_37 = arith.constant 0 : i32
    %dma_start3A_38 = tpu.memref_slice %arg7[%dma_start3A_36, %dma_start3A_37] : memref<79x128xi32, #tpu.memory_space<vmem>> -> memref<1x128xi32, #tpu.memory_space<vmem>>
    %dma_start3A_39 = tpu.memref_squeeze %dma_start3A_38 : memref<1x128xi32, #tpu.memory_space<vmem>> -> memref<128xi32, #tpu.memory_space<vmem>>
    %dma_start3A_40 = arith.constant 0 : i32
    %dma_start3A_41 = arith.constant 0 : i32
    %dma_start3A_42 = tpu.memref_slice %arg2[%dma_start3A_40, %dma_start3A_41] : memref<10000x128xf32, #tpu.memory_space<hbm>> -> memref<10000x128xf32, #tpu.memory_space<hbm>>
    tpu.enqueue_indirect_dma source(%dma_start3A_42 : memref<10000x128xf32, #tpu.memory_space<hbm>>) target(%arg9 : memref<128x128xf32, #tpu.memory_space<vmem>>) offsets(%dma_start3A_39 : memref<128xi32, #tpu.memory_space<vmem>>) semaphore(%arg12 : memref<!tpu.dma_semaphore, #tpu.memory_space<semaphore_mem>>)
    %dma_start3A_43 = arith.constant 1 : i32
    %dma_start3A_44 = arith.constant 0 : i32
    %dma_start3A_45 = tpu.memref_slice %arg7[%dma_start3A_43, %dma_start3A_44] : memref<79x128xi32, #tpu.memory_space<vmem>> -> memref<1x128xi32, #tpu.memory_space<vmem>>
    %dma_start3A_46 = tpu.memref_squeeze %dma_start3A_45 : memref<1x128xi32, #tpu.memory_space<vmem>> -> memref<128xi32, #tpu.memory_space<vmem>>
    %dma_start3A_47 = arith.constant 0 : i32
    %dma_start3A_48 = arith.constant 0 : i32
    %dma_start3A_49 = tpu.memref_slice %arg2[%dma_start3A_47, %dma_start3A_48] : memref<10000x128xf32, #tpu.memory_space<hbm>> -> memref<10000x128xf32, #tpu.memory_space<hbm>>
    tpu.enqueue_indirect_dma source(%dma_start3A_49 : memref<10000x128xf32, #tpu.memory_space<hbm>>) target(%arg10 : memref<128x128xf32, #tpu.memory_space<vmem>>) offsets(%dma_start3A_46 : memref<128xi32, #tpu.memory_space<vmem>>) semaphore(%arg13 : memref<!tpu.dma_semaphore, #tpu.memory_space<semaphore_mem>>)
    %scan3A_50 = arith.constant 0 : i32
    %scan3A_51 = arith.constant 0 : i32
    %scan3A_52 = arith.constant 79 : i32
    %scan3A_53 = arith.addi %scan3A_51, %scan3A_52 : i32
    %scan3A_54 = arith.constant 1 : i32
    scf.for %scan3A_159 = %scan3A_51 to %scan3A_53 step %scan3A_54  : i32 {
      %and3A = arith.constant 7 : i32
      %and3A_160 = arith.andi %scan3A_159, %and3A : i32
      %eq3A = arith.constant 0 : i32
      %eq3A_161 = arith.cmpi eq, %and3A_160, %eq3A : i32
      %convert_element_type3A = arith.extui %eq3A_161 : i1 to i32
      %cond3A = arith.constant 0 : i32
      %cond3A_162 = arith.cmpi ne, %convert_element_type3A, %cond3A : i32
      scf.if %cond3A_162 {
        %dma_wait3A_174 = arith.constant 0 : i32
        %dma_wait3A_175 = arith.constant 0 : i32
        %dma_wait3A_176 = arith.constant 0 : i32
        %dma_wait3A_177 = arith.constant 0 : i32
        %dma_wait3A_178 = tpu.memref_slice %arg8[%dma_wait3A_175, %dma_wait3A_176, %dma_wait3A_177] : memref<2x8x128xi32, #tpu.memory_space<vmem>> -> memref<1x8x128xi32, #tpu.memory_space<vmem>>
        %dma_wait3A_179 = tpu.memref_squeeze %dma_wait3A_178 : memref<1x8x128xi32, #tpu.memory_space<vmem>> -> memref<8x128xi32, #tpu.memory_space<vmem>>
        %dma_wait3A_180 = arith.constant 0 : i32
        %dma_wait3A_181 = arith.constant 0 : i32
        %dma_wait3A_182 = tpu.memref_slice %arg4[%add3A, %dma_wait3A_174, %dma_wait3A_180, %dma_wait3A_181] : memref<32x10x8x128xi32, #tpu.memory_space<hbm>> -> memref<1x1x8x128xi32, #tpu.memory_space<hbm>>
        %dma_wait3A_183 = tpu.memref_squeeze %dma_wait3A_182 : memref<1x1x8x128xi32, #tpu.memory_space<hbm>> -> memref<8x128xi32, #tpu.memory_space<hbm>>
        %dma_wait3A_184 = arith.constant 0 : i32
        %dma_wait3A_185 = arith.constant 0 : i32
        %dma_wait3A_186 = tpu.memref_slice %arg8[%dma_wait3A_175, %dma_wait3A_184, %dma_wait3A_185] : memref<2x8x128xi32, #tpu.memory_space<vmem>> -> memref<1x8x128xi32, #tpu.memory_space<vmem>>
        %dma_wait3A_187 = tpu.memref_squeeze %dma_wait3A_186 : memref<1x8x128xi32, #tpu.memory_space<vmem>> -> memref<8x128xi32, #tpu.memory_space<vmem>>
        %dma_wait3A_188 = arith.constant 0 : i32
        %dma_wait3A_189 = arith.constant 0 : i32
        %dma_wait3A_190 = tpu.memref_slice %arg4[%add3A, %dma_wait3A_174, %dma_wait3A_188, %dma_wait3A_189] : memref<32x10x8x128xi32, #tpu.memory_space<hbm>> -> memref<1x1x8x128xi32, #tpu.memory_space<hbm>>
        %dma_wait3A_191 = tpu.memref_squeeze %dma_wait3A_190 : memref<1x1x8x128xi32, #tpu.memory_space<hbm>> -> memref<8x128xi32, #tpu.memory_space<hbm>>
        tpu.wait_dma2 semaphore(%arg14 : memref<!tpu.dma_semaphore, #tpu.memory_space<semaphore_mem>>) src(%dma_wait3A_191 : memref<8x128xi32, #tpu.memory_space<hbm>>) dst(%dma_wait3A_187 : memref<8x128xi32, #tpu.memory_space<vmem>>)
        %shift_right_arithmetic3A = arith.constant 3 : i32
        %shift_right_arithmetic3A_192 = arith.shrsi %scan3A_159, %shift_right_arithmetic3A : i32
        %add3A_193 = arith.constant 1 : i32
        %add3A_194 = arith.addi %shift_right_arithmetic3A_192, %add3A_193 : i32
        %min3A = arith.constant 9 : i32
        %min3A_195 = arith.minsi %add3A_194, %min3A : i32
        %and3A_196 = arith.constant 1 : i32
        %and3A_197 = arith.andi %min3A_195, %and3A_196 : i32
        %dma_start3A_198 = arith.constant 0 : i32
        %dma_start3A_199 = arith.constant 0 : i32
        %dma_start3A_200 = tpu.memref_slice %arg8[%and3A_197, %dma_start3A_198, %dma_start3A_199] : memref<2x8x128xi32, #tpu.memory_space<vmem>> -> memref<1x8x128xi32, #tpu.memory_space<vmem>>
        %dma_start3A_201 = tpu.memref_squeeze %dma_start3A_200 : memref<1x8x128xi32, #tpu.memory_space<vmem>> -> memref<8x128xi32, #tpu.memory_space<vmem>>
        %dma_start3A_202 = arith.constant 0 : i32
        %dma_start3A_203 = arith.constant 0 : i32
        %dma_start3A_204 = tpu.memref_slice %arg4[%add3A, %min3A_195, %dma_start3A_202, %dma_start3A_203] : memref<32x10x8x128xi32, #tpu.memory_space<hbm>> -> memref<1x1x8x128xi32, #tpu.memory_space<hbm>>
        %dma_start3A_205 = tpu.memref_squeeze %dma_start3A_204 : memref<1x1x8x128xi32, #tpu.memory_space<hbm>> -> memref<8x128xi32, #tpu.memory_space<hbm>>
        %dma_start3A_206 = arith.constant 0 : i32
        %dma_start3A_207 = arith.constant 0 : i32
        %dma_start3A_208 = tpu.memref_slice %arg8[%and3A_197, %dma_start3A_206, %dma_start3A_207] : memref<2x8x128xi32, #tpu.memory_space<vmem>> -> memref<1x8x128xi32, #tpu.memory_space<vmem>>
        %dma_start3A_209 = tpu.memref_squeeze %dma_start3A_208 : memref<1x8x128xi32, #tpu.memory_space<vmem>> -> memref<8x128xi32, #tpu.memory_space<vmem>>
        %dma_start3A_210 = arith.constant 0 : i32
        %dma_start3A_211 = arith.constant 0 : i32
        %dma_start3A_212 = tpu.memref_slice %arg4[%add3A, %min3A_195, %dma_start3A_210, %dma_start3A_211] : memref<32x10x8x128xi32, #tpu.memory_space<hbm>> -> memref<1x1x8x128xi32, #tpu.memory_space<hbm>>
        %dma_start3A_213 = tpu.memref_squeeze %dma_start3A_212 : memref<1x1x8x128xi32, #tpu.memory_space<hbm>> -> memref<8x128xi32, #tpu.memory_space<hbm>>
        tpu.enqueue_dma source(%dma_start3A_213 : memref<8x128xi32, #tpu.memory_space<hbm>>) target(%dma_start3A_209 : memref<8x128xi32, #tpu.memory_space<vmem>>) target_semaphore(%arg14 : memref<!tpu.dma_semaphore, #tpu.memory_space<semaphore_mem>>)
      } else {
      }
      %and3A_163 = arith.constant 1 : i32
      %and3A_164 = arith.andi %scan3A_159, %and3A_163 : i32
      %eq3A_165 = arith.constant 0 : i32
      %eq3A_166 = arith.cmpi eq, %and3A_164, %eq3A_165 : i32
      %convert_element_type3A_167 = arith.extui %eq3A_166 : i1 to i32
      %cond3A_168 = arith.constant 0 : i32
      %cond3A_169 = arith.cmpi ne, %convert_element_type3A_167, %cond3A_168 : i32
      scf.if %cond3A_169 {
        %dma_wait3A_174 = arith.constant 0 : i32
        %dma_wait3A_175 = arith.constant 0 : i32
        %dma_wait3A_176 = tpu.memref_slice %arg7[%dma_wait3A_174, %dma_wait3A_175] : memref<79x128xi32, #tpu.memory_space<vmem>> -> memref<1x128xi32, #tpu.memory_space<vmem>>
        %dma_wait3A_177 = tpu.memref_squeeze %dma_wait3A_176 : memref<1x128xi32, #tpu.memory_space<vmem>> -> memref<128xi32, #tpu.memory_space<vmem>>
        %dma_wait3A_178 = arith.constant 0 : i32
        %dma_wait3A_179 = arith.constant 0 : i32
        %dma_wait3A_180 = tpu.memref_slice %arg2[%dma_wait3A_178, %dma_wait3A_179] : memref<10000x128xf32, #tpu.memory_space<hbm>> -> memref<10000x128xf32, #tpu.memory_space<hbm>>
        tpu.wait_indirect_dma semaphore(%arg12 : memref<!tpu.dma_semaphore, #tpu.memory_space<semaphore_mem>>) src(%dma_wait3A_180 : memref<10000x128xf32, #tpu.memory_space<hbm>>) dst(%arg9 : memref<128x128xf32, #tpu.memory_space<vmem>>)
        %shift_right_arithmetic3A = arith.constant 3 : i32
        %shift_right_arithmetic3A_181 = arith.shrsi %scan3A_159, %shift_right_arithmetic3A : i32
        %and3A_182 = arith.constant 1 : i32
        %and3A_183 = arith.andi %shift_right_arithmetic3A_181, %and3A_182 : i32
        %and3A_184 = arith.constant 7 : i32
        %and3A_185 = arith.andi %scan3A_159, %and3A_184 : i32
        "tpu.region"() ({
          %run_scoped3A = tpu.sem_alloc : memref<!tpu.dma_semaphore, #tpu.memory_space<semaphore_mem>>
          %dma_start3A_195 = arith.constant 0 : i32
          %dma_start3A_196 = tpu.memref_slice %arg8[%and3A_183, %and3A_185, %dma_start3A_195] : memref<2x8x128xi32, #tpu.memory_space<vmem>> -> memref<1x1x128xi32, #tpu.memory_space<vmem>>
          %dma_start3A_197 = tpu.memref_squeeze %dma_start3A_196 : memref<1x1x128xi32, #tpu.memory_space<vmem>> -> memref<128xi32, #tpu.memory_space<vmem>>
          %dma_start3A_198 = arith.constant 0 : i32
          %dma_start3A_199 = arith.constant 0 : i32
          %dma_start3A_200 = tpu.memref_slice %arg11[%dma_start3A_198, %dma_start3A_199] : memref<10016x128xf32, #tpu.memory_space<vmem_shared>> -> memref<10016x128xf32, #tpu.memory_space<vmem_shared>>
          tpu.enqueue_indirect_dma source(%arg9 : memref<128x128xf32, #tpu.memory_space<vmem>>) target(%dma_start3A_200 : memref<10016x128xf32, #tpu.memory_space<vmem_shared>>) offsets(%dma_start3A_197 : memref<128xi32, #tpu.memory_space<vmem>>) semaphore(%run_scoped3A : memref<!tpu.dma_semaphore, #tpu.memory_space<semaphore_mem>>) {add = true}
          %dma_wait3A_201 = arith.constant 0 : i32
          %dma_wait3A_202 = tpu.memref_slice %arg8[%and3A_183, %and3A_185, %dma_wait3A_201] : memref<2x8x128xi32, #tpu.memory_space<vmem>> -> memref<1x1x128xi32, #tpu.memory_space<vmem>>
          %dma_wait3A_203 = tpu.memref_squeeze %dma_wait3A_202 : memref<1x1x128xi32, #tpu.memory_space<vmem>> -> memref<128xi32, #tpu.memory_space<vmem>>
          %dma_wait3A_204 = arith.constant 0 : i32
          %dma_wait3A_205 = arith.constant 0 : i32
          %dma_wait3A_206 = tpu.memref_slice %arg11[%dma_wait3A_204, %dma_wait3A_205] : memref<10016x128xf32, #tpu.memory_space<vmem_shared>> -> memref<10016x128xf32, #tpu.memory_space<vmem_shared>>
          tpu.wait_indirect_dma semaphore(%run_scoped3A : memref<!tpu.dma_semaphore, #tpu.memory_space<semaphore_mem>>) src(%arg9 : memref<128x128xf32, #tpu.memory_space<vmem>>) dst(%dma_wait3A_206 : memref<10016x128xf32, #tpu.memory_space<vmem_shared>>)
          tpu.yield
        }) : () -> ()
        %add3A_186 = arith.constant 2 : i32
        %add3A_187 = arith.addi %scan3A_159, %add3A_186 : i32
        %min3A = arith.constant 78 : i32
        %min3A_188 = arith.minsi %add3A_187, %min3A : i32
        %dma_start3A_189 = arith.constant 0 : i32
        %dma_start3A_190 = tpu.memref_slice %arg7[%min3A_188, %dma_start3A_189] : memref<79x128xi32, #tpu.memory_space<vmem>> -> memref<1x128xi32, #tpu.memory_space<vmem>>
        %dma_start3A_191 = tpu.memref_squeeze %dma_start3A_190 : memref<1x128xi32, #tpu.memory_space<vmem>> -> memref<128xi32, #tpu.memory_space<vmem>>
        %dma_start3A_192 = arith.constant 0 : i32
        %dma_start3A_193 = arith.constant 0 : i32
        %dma_start3A_194 = tpu.memref_slice %arg2[%dma_start3A_192, %dma_start3A_193] : memref<10000x128xf32, #tpu.memory_space<hbm>> -> memref<10000x128xf32, #tpu.memory_space<hbm>>
        tpu.enqueue_indirect_dma source(%dma_start3A_194 : memref<10000x128xf32, #tpu.memory_space<hbm>>) target(%arg9 : memref<128x128xf32, #tpu.memory_space<vmem>>) offsets(%dma_start3A_191 : memref<128xi32, #tpu.memory_space<vmem>>) semaphore(%arg12 : memref<!tpu.dma_semaphore, #tpu.memory_space<semaphore_mem>>)
      } else {
      }
      %not3A = arith.constant true
      %not3A_170 = arith.xori %eq3A_166, %not3A : i1
      %convert_element_type3A_171 = arith.extui %not3A_170 : i1 to i32
      %cond3A_172 = arith.constant 0 : i32
      %cond3A_173 = arith.cmpi ne, %convert_element_type3A_171, %cond3A_172 : i32
      scf.if %cond3A_173 {
        %dma_wait3A_174 = arith.constant 0 : i32
        %dma_wait3A_175 = arith.constant 0 : i32
        %dma_wait3A_176 = tpu.memref_slice %arg7[%dma_wait3A_174, %dma_wait3A_175] : memref<79x128xi32, #tpu.memory_space<vmem>> -> memref<1x128xi32, #tpu.memory_space<vmem>>
        %dma_wait3A_177 = tpu.memref_squeeze %dma_wait3A_176 : memref<1x128xi32, #tpu.memory_space<vmem>> -> memref<128xi32, #tpu.memory_space<vmem>>
        %dma_wait3A_178 = arith.constant 0 : i32
        %dma_wait3A_179 = arith.constant 0 : i32
        %dma_wait3A_180 = tpu.memref_slice %arg2[%dma_wait3A_178, %dma_wait3A_179] : memref<10000x128xf32, #tpu.memory_space<hbm>> -> memref<10000x128xf32, #tpu.memory_space<hbm>>
        tpu.wait_indirect_dma semaphore(%arg13 : memref<!tpu.dma_semaphore, #tpu.memory_space<semaphore_mem>>) src(%dma_wait3A_180 : memref<10000x128xf32, #tpu.memory_space<hbm>>) dst(%arg10 : memref<128x128xf32, #tpu.memory_space<vmem>>)
        %shift_right_arithmetic3A = arith.constant 3 : i32
        %shift_right_arithmetic3A_181 = arith.shrsi %scan3A_159, %shift_right_arithmetic3A : i32
        %and3A_182 = arith.constant 1 : i32
        %and3A_183 = arith.andi %shift_right_arithmetic3A_181, %and3A_182 : i32
        %and3A_184 = arith.constant 7 : i32
        %and3A_185 = arith.andi %scan3A_159, %and3A_184 : i32
        "tpu.region"() ({
          %run_scoped3A = tpu.sem_alloc : memref<!tpu.dma_semaphore, #tpu.memory_space<semaphore_mem>>
          %dma_start3A_195 = arith.constant 0 : i32
          %dma_start3A_196 = tpu.memref_slice %arg8[%and3A_183, %and3A_185, %dma_start3A_195] : memref<2x8x128xi32, #tpu.memory_space<vmem>> -> memref<1x1x128xi32, #tpu.memory_space<vmem>>
          %dma_start3A_197 = tpu.memref_squeeze %dma_start3A_196 : memref<1x1x128xi32, #tpu.memory_space<vmem>> -> memref<128xi32, #tpu.memory_space<vmem>>
          %dma_start3A_198 = arith.constant 0 : i32
          %dma_start3A_199 = arith.constant 0 : i32
          %dma_start3A_200 = tpu.memref_slice %arg11[%dma_start3A_198, %dma_start3A_199] : memref<10016x128xf32, #tpu.memory_space<vmem_shared>> -> memref<10016x128xf32, #tpu.memory_space<vmem_shared>>
          tpu.enqueue_indirect_dma source(%arg10 : memref<128x128xf32, #tpu.memory_space<vmem>>) target(%dma_start3A_200 : memref<10016x128xf32, #tpu.memory_space<vmem_shared>>) offsets(%dma_start3A_197 : memref<128xi32, #tpu.memory_space<vmem>>) semaphore(%run_scoped3A : memref<!tpu.dma_semaphore, #tpu.memory_space<semaphore_mem>>) {add = true}
          %dma_wait3A_201 = arith.constant 0 : i32
          %dma_wait3A_202 = tpu.memref_slice %arg8[%and3A_183, %and3A_185, %dma_wait3A_201] : memref<2x8x128xi32, #tpu.memory_space<vmem>> -> memref<1x1x128xi32, #tpu.memory_space<vmem>>
          %dma_wait3A_203 = tpu.memref_squeeze %dma_wait3A_202 : memref<1x1x128xi32, #tpu.memory_space<vmem>> -> memref<128xi32, #tpu.memory_space<vmem>>
          %dma_wait3A_204 = arith.constant 0 : i32
          %dma_wait3A_205 = arith.constant 0 : i32
          %dma_wait3A_206 = tpu.memref_slice %arg11[%dma_wait3A_204, %dma_wait3A_205] : memref<10016x128xf32, #tpu.memory_space<vmem_shared>> -> memref<10016x128xf32, #tpu.memory_space<vmem_shared>>
          tpu.wait_indirect_dma semaphore(%run_scoped3A : memref<!tpu.dma_semaphore, #tpu.memory_space<semaphore_mem>>) src(%arg10 : memref<128x128xf32, #tpu.memory_space<vmem>>) dst(%dma_wait3A_206 : memref<10016x128xf32, #tpu.memory_space<vmem_shared>>)
          tpu.yield
        }) : () -> ()
        %add3A_186 = arith.constant 2 : i32
        %add3A_187 = arith.addi %scan3A_159, %add3A_186 : i32
        %min3A = arith.constant 78 : i32
        %min3A_188 = arith.minsi %add3A_187, %min3A : i32
        %dma_start3A_189 = arith.constant 0 : i32
        %dma_start3A_190 = tpu.memref_slice %arg7[%min3A_188, %dma_start3A_189] : memref<79x128xi32, #tpu.memory_space<vmem>> -> memref<1x128xi32, #tpu.memory_space<vmem>>
        %dma_start3A_191 = tpu.memref_squeeze %dma_start3A_190 : memref<1x128xi32, #tpu.memory_space<vmem>> -> memref<128xi32, #tpu.memory_space<vmem>>
        %dma_start3A_192 = arith.constant 0 : i32
        %dma_start3A_193 = arith.constant 0 : i32
        %dma_start3A_194 = tpu.memref_slice %arg2[%dma_start3A_192, %dma_start3A_193] : memref<10000x128xf32, #tpu.memory_space<hbm>> -> memref<10000x128xf32, #tpu.memory_space<hbm>>
        tpu.enqueue_indirect_dma source(%dma_start3A_194 : memref<10000x128xf32, #tpu.memory_space<hbm>>) target(%arg10 : memref<128x128xf32, #tpu.memory_space<vmem>>) offsets(%dma_start3A_191 : memref<128xi32, #tpu.memory_space<vmem>>) semaphore(%arg13 : memref<!tpu.dma_semaphore, #tpu.memory_space<semaphore_mem>>)
      } else {
      }
    }
    %scan3A_55 = arith.constant 79 : i32
    %dma_wait3A = arith.constant 0 : i32
    %dma_wait3A_56 = arith.constant 0 : i32
    %dma_wait3A_57 = tpu.memref_slice %arg7[%dma_wait3A, %dma_wait3A_56] : memref<79x128xi32, #tpu.memory_space<vmem>> -> memref<1x128xi32, #tpu.memory_space<vmem>>
    %dma_wait3A_58 = tpu.memref_squeeze %dma_wait3A_57 : memref<1x128xi32, #tpu.memory_space<vmem>> -> memref<128xi32, #tpu.memory_space<vmem>>
    %dma_wait3A_59 = arith.constant 0 : i32
    %dma_wait3A_60 = arith.constant 0 : i32
    %dma_wait3A_61 = tpu.memref_slice %arg2[%dma_wait3A_59, %dma_wait3A_60] : memref<10000x128xf32, #tpu.memory_space<hbm>> -> memref<10000x128xf32, #tpu.memory_space<hbm>>
    tpu.wait_indirect_dma semaphore(%arg12 : memref<!tpu.dma_semaphore, #tpu.memory_space<semaphore_mem>>) src(%dma_wait3A_61 : memref<10000x128xf32, #tpu.memory_space<hbm>>) dst(%arg9 : memref<128x128xf32, #tpu.memory_space<vmem>>)
    %dma_wait3A_62 = arith.constant 0 : i32
    %dma_wait3A_63 = arith.constant 0 : i32
    %dma_wait3A_64 = tpu.memref_slice %arg7[%dma_wait3A_62, %dma_wait3A_63] : memref<79x128xi32, #tpu.memory_space<vmem>> -> memref<1x128xi32, #tpu.memory_space<vmem>>
    %dma_wait3A_65 = tpu.memref_squeeze %dma_wait3A_64 : memref<1x128xi32, #tpu.memory_space<vmem>> -> memref<128xi32, #tpu.memory_space<vmem>>
    %dma_wait3A_66 = arith.constant 0 : i32
    %dma_wait3A_67 = arith.constant 0 : i32
    %dma_wait3A_68 = tpu.memref_slice %arg2[%dma_wait3A_66, %dma_wait3A_67] : memref<10000x128xf32, #tpu.memory_space<hbm>> -> memref<10000x128xf32, #tpu.memory_space<hbm>>
    tpu.wait_indirect_dma semaphore(%arg13 : memref<!tpu.dma_semaphore, #tpu.memory_space<semaphore_mem>>) src(%dma_wait3A_68 : memref<10000x128xf32, #tpu.memory_space<hbm>>) dst(%arg10 : memref<128x128xf32, #tpu.memory_space<vmem>>)
    %dma_wait3A_69 = arith.constant 0 : i32
    %dma_wait3A_70 = arith.constant 0 : i32
    %dma_wait3A_71 = arith.constant 0 : i32
    %dma_wait3A_72 = arith.constant 0 : i32
    %dma_wait3A_73 = tpu.memref_slice %arg8[%dma_wait3A_70, %dma_wait3A_71, %dma_wait3A_72] : memref<2x8x128xi32, #tpu.memory_space<vmem>> -> memref<1x8x128xi32, #tpu.memory_space<vmem>>
    %dma_wait3A_74 = tpu.memref_squeeze %dma_wait3A_73 : memref<1x8x128xi32, #tpu.memory_space<vmem>> -> memref<8x128xi32, #tpu.memory_space<vmem>>
    %dma_wait3A_75 = arith.constant 0 : i32
    %dma_wait3A_76 = arith.constant 0 : i32
    %dma_wait3A_77 = tpu.memref_slice %arg4[%add3A, %dma_wait3A_69, %dma_wait3A_75, %dma_wait3A_76] : memref<32x10x8x128xi32, #tpu.memory_space<hbm>> -> memref<1x1x8x128xi32, #tpu.memory_space<hbm>>
    %dma_wait3A_78 = tpu.memref_squeeze %dma_wait3A_77 : memref<1x1x8x128xi32, #tpu.memory_space<hbm>> -> memref<8x128xi32, #tpu.memory_space<hbm>>
    %dma_wait3A_79 = arith.constant 0 : i32
    %dma_wait3A_80 = arith.constant 0 : i32
    %dma_wait3A_81 = tpu.memref_slice %arg8[%dma_wait3A_70, %dma_wait3A_79, %dma_wait3A_80] : memref<2x8x128xi32, #tpu.memory_space<vmem>> -> memref<1x8x128xi32, #tpu.memory_space<vmem>>
    %dma_wait3A_82 = tpu.memref_squeeze %dma_wait3A_81 : memref<1x8x128xi32, #tpu.memory_space<vmem>> -> memref<8x128xi32, #tpu.memory_space<vmem>>
    %dma_wait3A_83 = arith.constant 0 : i32
    %dma_wait3A_84 = arith.constant 0 : i32
    %dma_wait3A_85 = tpu.memref_slice %arg4[%add3A, %dma_wait3A_69, %dma_wait3A_83, %dma_wait3A_84] : memref<32x10x8x128xi32, #tpu.memory_space<hbm>> -> memref<1x1x8x128xi32, #tpu.memory_space<hbm>>
    %dma_wait3A_86 = tpu.memref_squeeze %dma_wait3A_85 : memref<1x1x8x128xi32, #tpu.memory_space<hbm>> -> memref<8x128xi32, #tpu.memory_space<hbm>>
    tpu.wait_dma2 semaphore(%arg14 : memref<!tpu.dma_semaphore, #tpu.memory_space<semaphore_mem>>) src(%dma_wait3A_86 : memref<8x128xi32, #tpu.memory_space<hbm>>) dst(%dma_wait3A_82 : memref<8x128xi32, #tpu.memory_space<vmem>>)
    %barrier3A_87 = arith.constant 0 : index
    tpu.barrier barrier_id(%barrier3A_87)
    "tpu.region"() ({
      %run_scoped3A = tpu.sem_alloc : memref<!tpu.dma_semaphore, #tpu.memory_space<semaphore_mem>>
      %dma_start3A_159 = arith.constant 0 : i32
      %dma_start3A_160 = arith.constant 0 : i32
      %dma_start3A_161 = tpu.memref_slice %arg5[%arg0, %arg1, %dma_start3A_159, %dma_start3A_160] : memref<2x16x626x128xf32, #tpu.memory_space<hbm>> -> memref<1x1x626x128xf32, #tpu.memory_space<hbm>>
      %dma_start3A_162 = tpu.memref_squeeze %dma_start3A_161 : memref<1x1x626x128xf32, #tpu.memory_space<hbm>> -> memref<626x128xf32, #tpu.memory_space<hbm>>
      %dma_start3A_163 = arith.constant 0 : i32
      %dma_start3A_164 = tpu.memref_slice %arg11[%mul3A_2, %dma_start3A_163] : memref<10016x128xf32, #tpu.memory_space<vmem_shared>> -> memref<626x128xf32, #tpu.memory_space<vmem_shared>>
      tpu.enqueue_dma source(%dma_start3A_164 : memref<626x128xf32, #tpu.memory_space<vmem_shared>>) target(%dma_start3A_162 : memref<626x128xf32, #tpu.memory_space<hbm>>) target_semaphore(%run_scoped3A : memref<!tpu.dma_semaphore, #tpu.memory_space<semaphore_mem>>)
      %dma_wait3A_165 = arith.constant 0 : i32
      %dma_wait3A_166 = arith.constant 0 : i32
      %dma_wait3A_167 = tpu.memref_slice %arg5[%arg0, %arg1, %dma_wait3A_165, %dma_wait3A_166] : memref<2x16x626x128xf32, #tpu.memory_space<hbm>> -> memref<1x1x626x128xf32, #tpu.memory_space<hbm>>
      %dma_wait3A_168 = tpu.memref_squeeze %dma_wait3A_167 : memref<1x1x626x128xf32, #tpu.memory_space<hbm>> -> memref<626x128xf32, #tpu.memory_space<hbm>>
      %dma_wait3A_169 = arith.constant 0 : i32
      %dma_wait3A_170 = tpu.memref_slice %arg11[%mul3A_2, %dma_wait3A_169] : memref<10016x128xf32, #tpu.memory_space<vmem_shared>> -> memref<626x128xf32, #tpu.memory_space<vmem_shared>>
      tpu.wait_dma2 semaphore(%run_scoped3A : memref<!tpu.dma_semaphore, #tpu.memory_space<semaphore_mem>>) src(%dma_wait3A_170 : memref<626x128xf32, #tpu.memory_space<vmem_shared>>) dst(%dma_wait3A_168 : memref<626x128xf32, #tpu.memory_space<hbm>>)
      tpu.yield
    }) : () -> ()
    %barrier3A_88 = arith.constant 0 : index
    tpu.barrier barrier_id(%barrier3A_88)
    %broadcast_in_dim3A_89 = arith.constant 0.000000e+00 : f32
    %broadcast_in_dim3A_90 = vector.broadcast %broadcast_in_dim3A_89 : f32 to vector<16xf32>
    %scan3A_91 = arith.constant 0 : i32
    %scan3A_92 = arith.constant 0 : i32
    %scan3A_93 = arith.constant 128 : i32
    %scan3A_94 = arith.addi %scan3A_92, %scan3A_93 : i32
    %scan3A_95 = arith.constant 1 : i32
    scf.for %scan3A_159 = %scan3A_92 to %scan3A_94 step %scan3A_95  : i32 {
      %swap3A = arith.index_cast %scan3A_159 : i32 to index
      %swap3A_160 = arith.constant 0 : index
      %swap3A_161 = tpu.vector_load %arg9[%swap3A, %swap3A_160] {strides = array<i32>} : memref<128x128xf32, #tpu.memory_space<vmem>>, vector<1x16xf32>,
      %swap3A_162 = vector.shape_cast %swap3A_161 : vector<1x16xf32> to vector<16xf32>
      %swap3A_163 = vector.shape_cast %broadcast_in_dim3A_90 : vector<16xf32> to vector<1x16xf32>
      tpu.vector_store %arg9[%swap3A, %swap3A_160], %swap3A_163 {strides = array<i32>} : memref<128x128xf32, #tpu.memory_space<vmem>>, vector<1x16xf32>,
      %swap3A_164 = arith.index_cast %scan3A_159 : i32 to index
      %swap3A_165 = arith.constant 16 : index
      %swap3A_166 = tpu.vector_load %arg9[%swap3A_164, %swap3A_165] {strides = array<i32>} : memref<128x128xf32, #tpu.memory_space<vmem>>, vector<1x16xf32>,
      %swap3A_167 = vector.shape_cast %swap3A_166 : vector<1x16xf32> to vector<16xf32>
      %swap3A_168 = vector.shape_cast %broadcast_in_dim3A_90 : vector<16xf32> to vector<1x16xf32>
      tpu.vector_store %arg9[%swap3A_164, %swap3A_165], %swap3A_168 {strides = array<i32>} : memref<128x128xf32, #tpu.memory_space<vmem>>, vector<1x16xf32>,
      %swap3A_169 = arith.index_cast %scan3A_159 : i32 to index
      %swap3A_170 = arith.constant 32 : index
      %swap3A_171 = tpu.vector_load %arg9[%swap3A_169, %swap3A_170] {strides = array<i32>} : memref<128x128xf32, #tpu.memory_space<vmem>>, vector<1x16xf32>,
      %swap3A_172 = vector.shape_cast %swap3A_171 : vector<1x16xf32> to vector<16xf32>
      %swap3A_173 = vector.shape_cast %broadcast_in_dim3A_90 : vector<16xf32> to vector<1x16xf32>
      tpu.vector_store %arg9[%swap3A_169, %swap3A_170], %swap3A_173 {strides = array<i32>} : memref<128x128xf32, #tpu.memory_space<vmem>>, vector<1x16xf32>,
      %swap3A_174 = arith.index_cast %scan3A_159 : i32 to index
      %swap3A_175 = arith.constant 48 : index
      %swap3A_176 = tpu.vector_load %arg9[%swap3A_174, %swap3A_175] {strides = array<i32>} : memref<128x128xf32, #tpu.memory_space<vmem>>, vector<1x16xf32>,
      %swap3A_177 = vector.shape_cast %swap3A_176 : vector<1x16xf32> to vector<16xf32>
      %swap3A_178 = vector.shape_cast %broadcast_in_dim3A_90 : vector<16xf32> to vector<1x16xf32>
      tpu.vector_store %arg9[%swap3A_174, %swap3A_175], %swap3A_178 {strides = array<i32>} : memref<128x128xf32, #tpu.memory_space<vmem>>, vector<1x16xf32>,
      %swap3A_179 = arith.index_cast %scan3A_159 : i32 to index
      %swap3A_180 = arith.constant 64 : index
      %swap3A_181 = tpu.vector_load %arg9[%swap3A_179, %swap3A_180] {strides = array<i32>} : memref<128x128xf32, #tpu.memory_space<vmem>>, vector<1x16xf32>,
      %swap3A_182 = vector.shape_cast %swap3A_181 : vector<1x16xf32> to vector<16xf32>
      %swap3A_183 = vector.shape_cast %broadcast_in_dim3A_90 : vector<16xf32> to vector<1x16xf32>
      tpu.vector_store %arg9[%swap3A_179, %swap3A_180], %swap3A_183 {strides = array<i32>} : memref<128x128xf32, #tpu.memory_space<vmem>>, vector<1x16xf32>,
      %swap3A_184 = arith.index_cast %scan3A_159 : i32 to index
      %swap3A_185 = arith.constant 80 : index
      %swap3A_186 = tpu.vector_load %arg9[%swap3A_184, %swap3A_185] {strides = array<i32>} : memref<128x128xf32, #tpu.memory_space<vmem>>, vector<1x16xf32>,
      %swap3A_187 = vector.shape_cast %swap3A_186 : vector<1x16xf32> to vector<16xf32>
      %swap3A_188 = vector.shape_cast %broadcast_in_dim3A_90 : vector<16xf32> to vector<1x16xf32>
      tpu.vector_store %arg9[%swap3A_184, %swap3A_185], %swap3A_188 {strides = array<i32>} : memref<128x128xf32, #tpu.memory_space<vmem>>, vector<1x16xf32>,
      %swap3A_189 = arith.index_cast %scan3A_159 : i32 to index
      %swap3A_190 = arith.constant 96 : index
      %swap3A_191 = tpu.vector_load %arg9[%swap3A_189, %swap3A_190] {strides = array<i32>} : memref<128x128xf32, #tpu.memory_space<vmem>>, vector<1x16xf32>,
      %swap3A_192 = vector.shape_cast %swap3A_191 : vector<1x16xf32> to vector<16xf32>
      %swap3A_193 = vector.shape_cast %broadcast_in_dim3A_90 : vector<16xf32> to vector<1x16xf32>
      tpu.vector_store %arg9[%swap3A_189, %swap3A_190], %swap3A_193 {strides = array<i32>} : memref<128x128xf32, #tpu.memory_space<vmem>>, vector<1x16xf32>,
      %swap3A_194 = arith.index_cast %scan3A_159 : i32 to index
      %swap3A_195 = arith.constant 112 : index
      %swap3A_196 = tpu.vector_load %arg9[%swap3A_194, %swap3A_195] {strides = array<i32>} : memref<128x128xf32, #tpu.memory_space<vmem>>, vector<1x16xf32>,
      %swap3A_197 = vector.shape_cast %swap3A_196 : vector<1x16xf32> to vector<16xf32>
      %swap3A_198 = vector.shape_cast %broadcast_in_dim3A_90 : vector<16xf32> to vector<1x16xf32>
      tpu.vector_store %arg9[%swap3A_194, %swap3A_195], %swap3A_198 {strides = array<i32>} : memref<128x128xf32, #tpu.memory_space<vmem>>, vector<1x16xf32>,
    }
    %scan3A_96 = arith.constant 128 : i32
    %add3A_97 = arith.constant 0 : i32
    %add3A_98 = arith.addi %mul3A_2, %add3A_97 : i32
    "tpu.region"() ({
      %run_scoped3A = tpu.sem_alloc : memref<!tpu.dma_semaphore, #tpu.memory_space<semaphore_mem>>
      %dma_start3A_159 = arith.constant 0 : i32
      %dma_start3A_160 = tpu.memref_slice %arg11[%add3A_98, %dma_start3A_159] : memref<10016x128xf32, #tpu.memory_space<vmem_shared>> -> memref<128x128xf32, #tpu.memory_space<vmem_shared>>
      %dma_start3A_161 = arith.constant 0 : i32
      %dma_start3A_162 = tpu.memref_slice %arg11[%add3A_98, %dma_start3A_161] : memref<10016x128xf32, #tpu.memory_space<vmem_shared>> -> memref<128x128xf32, #tpu.memory_space<vmem_shared>>
      tpu.enqueue_dma source(%arg9 : memref<128x128xf32, #tpu.memory_space<vmem>>) target(%dma_start3A_162 : memref<128x128xf32, #tpu.memory_space<vmem_shared>>) target_semaphore(%run_scoped3A : memref<!tpu.dma_semaphore, #tpu.memory_space<semaphore_mem>>)
      %dma_wait3A_163 = arith.constant 0 : i32
      %dma_wait3A_164 = tpu.memref_slice %arg11[%add3A_98, %dma_wait3A_163] : memref<10016x128xf32, #tpu.memory_space<vmem_shared>> -> memref<128x128xf32, #tpu.memory_space<vmem_shared>>
      %dma_wait3A_165 = arith.constant 0 : i32
      %dma_wait3A_166 = tpu.memref_slice %arg11[%add3A_98, %dma_wait3A_165] : memref<10016x128xf32, #tpu.memory_space<vmem_shared>> -> memref<128x128xf32, #tpu.memory_space<vmem_shared>>
      tpu.wait_dma2 semaphore(%run_scoped3A : memref<!tpu.dma_semaphore, #tpu.memory_space<semaphore_mem>>) src(%arg9 : memref<128x128xf32, #tpu.memory_space<vmem>>) dst(%dma_wait3A_166 : memref<128x128xf32, #tpu.memory_space<vmem_shared>>)
      tpu.yield
    }) : () -> ()
    %add3A_99 = arith.constant 128 : i32
    %add3A_100 = arith.addi %mul3A_2, %add3A_99 : i32
    "tpu.region"() ({
      %run_scoped3A = tpu.sem_alloc : memref<!tpu.dma_semaphore, #tpu.memory_space<semaphore_mem>>
      %dma_start3A_159 = arith.constant 0 : i32
      %dma_start3A_160 = tpu.memref_slice %arg11[%add3A_100, %dma_start3A_159] : memref<10016x128xf32, #tpu.memory_space<vmem_shared>> -> memref<128x128xf32, #tpu.memory_space<vmem_shared>>
      %dma_start3A_161 = arith.constant 0 : i32
      %dma_start3A_162 = tpu.memref_slice %arg11[%add3A_100, %dma_start3A_161] : memref<10016x128xf32, #tpu.memory_space<vmem_shared>> -> memref<128x128xf32, #tpu.memory_space<vmem_shared>>
      tpu.enqueue_dma source(%arg9 : memref<128x128xf32, #tpu.memory_space<vmem>>) target(%dma_start3A_162 : memref<128x128xf32, #tpu.memory_space<vmem_shared>>) target_semaphore(%run_scoped3A : memref<!tpu.dma_semaphore, #tpu.memory_space<semaphore_mem>>)
      %dma_wait3A_163 = arith.constant 0 : i32
      %dma_wait3A_164 = tpu.memref_slice %arg11[%add3A_100, %dma_wait3A_163] : memref<10016x128xf32, #tpu.memory_space<vmem_shared>> -> memref<128x128xf32, #tpu.memory_space<vmem_shared>>
      %dma_wait3A_165 = arith.constant 0 : i32
      %dma_wait3A_166 = tpu.memref_slice %arg11[%add3A_100, %dma_wait3A_165] : memref<10016x128xf32, #tpu.memory_space<vmem_shared>> -> memref<128x128xf32, #tpu.memory_space<vmem_shared>>
      tpu.wait_dma2 semaphore(%run_scoped3A : memref<!tpu.dma_semaphore, #tpu.memory_space<semaphore_mem>>) src(%arg9 : memref<128x128xf32, #tpu.memory_space<vmem>>) dst(%dma_wait3A_166 : memref<128x128xf32, #tpu.memory_space<vmem_shared>>)
      tpu.yield
    }) : () -> ()
    %add3A_101 = arith.constant 256 : i32
    %add3A_102 = arith.addi %mul3A_2, %add3A_101 : i32
    "tpu.region"() ({
      %run_scoped3A = tpu.sem_alloc : memref<!tpu.dma_semaphore, #tpu.memory_space<semaphore_mem>>
      %dma_start3A_159 = arith.constant 0 : i32
      %dma_start3A_160 = tpu.memref_slice %arg11[%add3A_102, %dma_start3A_159] : memref<10016x128xf32, #tpu.memory_space<vmem_shared>> -> memref<128x128xf32, #tpu.memory_space<vmem_shared>>
      %dma_start3A_161 = arith.constant 0 : i32
      %dma_start3A_162 = tpu.memref_slice %arg11[%add3A_102, %dma_start3A_161] : memref<10016x128xf32, #tpu.memory_space<vmem_shared>> -> memref<128x128xf32, #tpu.memory_space<vmem_shared>>
      tpu.enqueue_dma source(%arg9 : memref<128x128xf32, #tpu.memory_space<vmem>>) target(%dma_start3A_162 : memref<128x128xf32, #tpu.memory_space<vmem_shared>>) target_semaphore(%run_scoped3A : memref<!tpu.dma_semaphore, #tpu.memory_space<semaphore_mem>>)
      %dma_wait3A_163 = arith.constant 0 : i32
      %dma_wait3A_164 = tpu.memref_slice %arg11[%add3A_102, %dma_wait3A_163] : memref<10016x128xf32, #tpu.memory_space<vmem_shared>> -> memref<128x128xf32, #tpu.memory_space<vmem_shared>>
      %dma_wait3A_165 = arith.constant 0 : i32
      %dma_wait3A_166 = tpu.memref_slice %arg11[%add3A_102, %dma_wait3A_165] : memref<10016x128xf32, #tpu.memory_space<vmem_shared>> -> memref<128x128xf32, #tpu.memory_space<vmem_shared>>
      tpu.wait_dma2 semaphore(%run_scoped3A : memref<!tpu.dma_semaphore, #tpu.memory_space<semaphore_mem>>) src(%arg9 : memref<128x128xf32, #tpu.memory_space<vmem>>) dst(%dma_wait3A_166 : memref<128x128xf32, #tpu.memory_space<vmem_shared>>)
      tpu.yield
    }) : () -> ()
    %add3A_103 = arith.constant 384 : i32
    %add3A_104 = arith.addi %mul3A_2, %add3A_103 : i32
    "tpu.region"() ({
      %run_scoped3A = tpu.sem_alloc : memref<!tpu.dma_semaphore, #tpu.memory_space<semaphore_mem>>
      %dma_start3A_159 = arith.constant 0 : i32
      %dma_start3A_160 = tpu.memref_slice %arg11[%add3A_104, %dma_start3A_159] : memref<10016x128xf32, #tpu.memory_space<vmem_shared>> -> memref<128x128xf32, #tpu.memory_space<vmem_shared>>
      %dma_start3A_161 = arith.constant 0 : i32
      %dma_start3A_162 = tpu.memref_slice %arg11[%add3A_104, %dma_start3A_161] : memref<10016x128xf32, #tpu.memory_space<vmem_shared>> -> memref<128x128xf32, #tpu.memory_space<vmem_shared>>
      tpu.enqueue_dma source(%arg9 : memref<128x128xf32, #tpu.memory_space<vmem>>) target(%dma_start3A_162 : memref<128x128xf32, #tpu.memory_space<vmem_shared>>) target_semaphore(%run_scoped3A : memref<!tpu.dma_semaphore, #tpu.memory_space<semaphore_mem>>)
      %dma_wait3A_163 = arith.constant 0 : i32
      %dma_wait3A_164 = tpu.memref_slice %arg11[%add3A_104, %dma_wait3A_163] : memref<10016x128xf32, #tpu.memory_space<vmem_shared>> -> memref<128x128xf32, #tpu.memory_space<vmem_shared>>
      %dma_wait3A_165 = arith.constant 0 : i32
      %dma_wait3A_166 = tpu.memref_slice %arg11[%add3A_104, %dma_wait3A_165] : memref<10016x128xf32, #tpu.memory_space<vmem_shared>> -> memref<128x128xf32, #tpu.memory_space<vmem_shared>>
      tpu.wait_dma2 semaphore(%run_scoped3A : memref<!tpu.dma_semaphore, #tpu.memory_space<semaphore_mem>>) src(%arg9 : memref<128x128xf32, #tpu.memory_space<vmem>>) dst(%dma_wait3A_166 : memref<128x128xf32, #tpu.memory_space<vmem_shared>>)
      tpu.yield
    }) : () -> ()
    %add3A_105 = arith.constant 512 : i32
    %add3A_106 = arith.addi %mul3A_2, %add3A_105 : i32
    "tpu.region"() ({
      %run_scoped3A = tpu.sem_alloc : memref<!tpu.dma_semaphore, #tpu.memory_space<semaphore_mem>>
      %dma_start3A_159 = arith.constant 0 : i32
      %dma_start3A_160 = arith.constant 0 : i32
      %dma_start3A_161 = tpu.memref_slice %arg9[%dma_start3A_159, %dma_start3A_160] : memref<128x128xf32, #tpu.memory_space<vmem>> -> memref<114x128xf32, #tpu.memory_space<vmem>>
      %dma_start3A_162 = arith.constant 0 : i32
      %dma_start3A_163 = tpu.memref_slice %arg11[%add3A_106, %dma_start3A_162] : memref<10016x128xf32, #tpu.memory_space<vmem_shared>> -> memref<114x128xf32, #tpu.memory_space<vmem_shared>>
      %dma_start3A_164 = arith.constant 0 : i32
      %dma_start3A_165 = tpu.memref_slice %arg11[%add3A_106, %dma_start3A_164] : memref<10016x128xf32, #tpu.memory_space<vmem_shared>> -> memref<114x128xf32, #tpu.memory_space<vmem_shared>>
      %dma_start3A_166 = arith.constant 0 : i32
      %dma_start3A_167 = arith.constant 0 : i32
      %dma_start3A_168 = tpu.memref_slice %arg9[%dma_start3A_166, %dma_start3A_167] : memref<128x128xf32, #tpu.memory_space<vmem>> -> memref<114x128xf32, #tpu.memory_space<vmem>>
      tpu.enqueue_dma source(%dma_start3A_168 : memref<114x128xf32, #tpu.memory_space<vmem>>) target(%dma_start3A_165 : memref<114x128xf32, #tpu.memory_space<vmem_shared>>) target_semaphore(%run_scoped3A : memref<!tpu.dma_semaphore, #tpu.memory_space<semaphore_mem>>)
      %dma_wait3A_169 = arith.constant 0 : i32
      %dma_wait3A_170 = arith.constant 0 : i32
      %dma_wait3A_171 = tpu.memref_slice %arg9[%dma_wait3A_169, %dma_wait3A_170] : memref<128x128xf32, #tpu.memory_space<vmem>> -> memref<114x128xf32, #tpu.memory_space<vmem>>
      %dma_wait3A_172 = arith.constant 0 : i32
      %dma_wait3A_173 = tpu.memref_slice %arg11[%add3A_106, %dma_wait3A_172] : memref<10016x128xf32, #tpu.memory_space<vmem_shared>> -> memref<114x128xf32, #tpu.memory_space<vmem_shared>>
      %dma_wait3A_174 = arith.constant 0 : i32
      %dma_wait3A_175 = tpu.memref_slice %arg11[%add3A_106, %dma_wait3A_174] : memref<10016x128xf32, #tpu.memory_space<vmem_shared>> -> memref<114x128xf32, #tpu.memory_space<vmem_shared>>
      %dma_wait3A_176 = arith.constant 0 : i32
      %dma_wait3A_177 = arith.constant 0 : i32
      %dma_wait3A_178 = tpu.memref_slice %arg9[%dma_wait3A_176, %dma_wait3A_177] : memref<128x128xf32, #tpu.memory_space<vmem>> -> memref<114x128xf32, #tpu.memory_space<vmem>>
      tpu.wait_dma2 semaphore(%run_scoped3A : memref<!tpu.dma_semaphore, #tpu.memory_space<semaphore_mem>>) src(%dma_wait3A_178 : memref<114x128xf32, #tpu.memory_space<vmem>>) dst(%dma_wait3A_175 : memref<114x128xf32, #tpu.memory_space<vmem_shared>>)
      tpu.yield
    }) : () -> ()
    %barrier3A_107 = arith.constant 0 : index
    tpu.barrier barrier_id(%barrier3A_107)
    %broadcast_in_dim3A_108 = arith.constant 1.000000e+00 : f32
    %broadcast_in_dim3A_109 = vector.broadcast %broadcast_in_dim3A_108 : f32 to vector<16xf32>
    %scan3A_110 = arith.constant 0 : i32
    %scan3A_111 = arith.constant 0 : i32
    %scan3A_112 = arith.constant 128 : i32
    %scan3A_113 = arith.addi %scan3A_111, %scan3A_112 : i32
    %scan3A_114 = arith.constant 1 : i32
    scf.for %scan3A_159 = %scan3A_111 to %scan3A_113 step %scan3A_114  : i32 {
      %swap3A = arith.index_cast %scan3A_159 : i32 to index
      %swap3A_160 = arith.constant 0 : index
      %swap3A_161 = tpu.vector_load %arg9[%swap3A, %swap3A_160] {strides = array<i32>} : memref<128x128xf32, #tpu.memory_space<vmem>>, vector<1x16xf32>,
      %swap3A_162 = vector.shape_cast %swap3A_161 : vector<1x16xf32> to vector<16xf32>
      %swap3A_163 = vector.shape_cast %broadcast_in_dim3A_109 : vector<16xf32> to vector<1x16xf32>
      tpu.vector_store %arg9[%swap3A, %swap3A_160], %swap3A_163 {strides = array<i32>} : memref<128x128xf32, #tpu.memory_space<vmem>>, vector<1x16xf32>,
      %swap3A_164 = arith.index_cast %scan3A_159 : i32 to index
      %swap3A_165 = arith.constant 16 : index
      %swap3A_166 = tpu.vector_load %arg9[%swap3A_164, %swap3A_165] {strides = array<i32>} : memref<128x128xf32, #tpu.memory_space<vmem>>, vector<1x16xf32>,
      %swap3A_167 = vector.shape_cast %swap3A_166 : vector<1x16xf32> to vector<16xf32>
      %swap3A_168 = vector.shape_cast %broadcast_in_dim3A_109 : vector<16xf32> to vector<1x16xf32>
      tpu.vector_store %arg9[%swap3A_164, %swap3A_165], %swap3A_168 {strides = array<i32>} : memref<128x128xf32, #tpu.memory_space<vmem>>, vector<1x16xf32>,
      %swap3A_169 = arith.index_cast %scan3A_159 : i32 to index
      %swap3A_170 = arith.constant 32 : index
      %swap3A_171 = tpu.vector_load %arg9[%swap3A_169, %swap3A_170] {strides = array<i32>} : memref<128x128xf32, #tpu.memory_space<vmem>>, vector<1x16xf32>,
      %swap3A_172 = vector.shape_cast %swap3A_171 : vector<1x16xf32> to vector<16xf32>
      %swap3A_173 = vector.shape_cast %broadcast_in_dim3A_109 : vector<16xf32> to vector<1x16xf32>
      tpu.vector_store %arg9[%swap3A_169, %swap3A_170], %swap3A_173 {strides = array<i32>} : memref<128x128xf32, #tpu.memory_space<vmem>>, vector<1x16xf32>,
      %swap3A_174 = arith.index_cast %scan3A_159 : i32 to index
      %swap3A_175 = arith.constant 48 : index
      %swap3A_176 = tpu.vector_load %arg9[%swap3A_174, %swap3A_175] {strides = array<i32>} : memref<128x128xf32, #tpu.memory_space<vmem>>, vector<1x16xf32>,
      %swap3A_177 = vector.shape_cast %swap3A_176 : vector<1x16xf32> to vector<16xf32>
      %swap3A_178 = vector.shape_cast %broadcast_in_dim3A_109 : vector<16xf32> to vector<1x16xf32>
      tpu.vector_store %arg9[%swap3A_174, %swap3A_175], %swap3A_178 {strides = array<i32>} : memref<128x128xf32, #tpu.memory_space<vmem>>, vector<1x16xf32>,
      %swap3A_179 = arith.index_cast %scan3A_159 : i32 to index
      %swap3A_180 = arith.constant 64 : index
      %swap3A_181 = tpu.vector_load %arg9[%swap3A_179, %swap3A_180] {strides = array<i32>} : memref<128x128xf32, #tpu.memory_space<vmem>>, vector<1x16xf32>,
      %swap3A_182 = vector.shape_cast %swap3A_181 : vector<1x16xf32> to vector<16xf32>
      %swap3A_183 = vector.shape_cast %broadcast_in_dim3A_109 : vector<16xf32> to vector<1x16xf32>
      tpu.vector_store %arg9[%swap3A_179, %swap3A_180], %swap3A_183 {strides = array<i32>} : memref<128x128xf32, #tpu.memory_space<vmem>>, vector<1x16xf32>,
      %swap3A_184 = arith.index_cast %scan3A_159 : i32 to index
      %swap3A_185 = arith.constant 80 : index
      %swap3A_186 = tpu.vector_load %arg9[%swap3A_184, %swap3A_185] {strides = array<i32>} : memref<128x128xf32, #tpu.memory_space<vmem>>, vector<1x16xf32>,
      %swap3A_187 = vector.shape_cast %swap3A_186 : vector<1x16xf32> to vector<16xf32>
      %swap3A_188 = vector.shape_cast %broadcast_in_dim3A_109 : vector<16xf32> to vector<1x16xf32>
      tpu.vector_store %arg9[%swap3A_184, %swap3A_185], %swap3A_188 {strides = array<i32>} : memref<128x128xf32, #tpu.memory_space<vmem>>, vector<1x16xf32>,
      %swap3A_189 = arith.index_cast %scan3A_159 : i32 to index
      %swap3A_190 = arith.constant 96 : index
      %swap3A_191 = tpu.vector_load %arg9[%swap3A_189, %swap3A_190] {strides = array<i32>} : memref<128x128xf32, #tpu.memory_space<vmem>>, vector<1x16xf32>,
      %swap3A_192 = vector.shape_cast %swap3A_191 : vector<1x16xf32> to vector<16xf32>
      %swap3A_193 = vector.shape_cast %broadcast_in_dim3A_109 : vector<16xf32> to vector<1x16xf32>
      tpu.vector_store %arg9[%swap3A_189, %swap3A_190], %swap3A_193 {strides = array<i32>} : memref<128x128xf32, #tpu.memory_space<vmem>>, vector<1x16xf32>,
      %swap3A_194 = arith.index_cast %scan3A_159 : i32 to index
      %swap3A_195 = arith.constant 112 : index
      %swap3A_196 = tpu.vector_load %arg9[%swap3A_194, %swap3A_195] {strides = array<i32>} : memref<128x128xf32, #tpu.memory_space<vmem>>, vector<1x16xf32>,
      %swap3A_197 = vector.shape_cast %swap3A_196 : vector<1x16xf32> to vector<16xf32>
      %swap3A_198 = vector.shape_cast %broadcast_in_dim3A_109 : vector<16xf32> to vector<1x16xf32>
      tpu.vector_store %arg9[%swap3A_194, %swap3A_195], %swap3A_198 {strides = array<i32>} : memref<128x128xf32, #tpu.memory_space<vmem>>, vector<1x16xf32>,
    }
    %scan3A_115 = arith.constant 128 : i32
    %dma_start3A_116 = arith.constant 0 : i32
    %dma_start3A_117 = arith.constant 0 : i32
    %dma_start3A_118 = arith.constant 0 : i32
    %dma_start3A_119 = arith.constant 0 : i32
    %dma_start3A_120 = tpu.memref_slice %arg8[%dma_start3A_117, %dma_start3A_118, %dma_start3A_119] : memref<2x8x128xi32, #tpu.memory_space<vmem>> -> memref<1x8x128xi32, #tpu.memory_space<vmem>>
    %dma_start3A_121 = tpu.memref_squeeze %dma_start3A_120 : memref<1x8x128xi32, #tpu.memory_space<vmem>> -> memref<8x128xi32, #tpu.memory_space<vmem>>
    %dma_start3A_122 = arith.constant 0 : i32
    %dma_start3A_123 = arith.constant 0 : i32
    %dma_start3A_124 = tpu.memref_slice %arg4[%add3A, %dma_start3A_116, %dma_start3A_122, %dma_start3A_123] : memref<32x10x8x128xi32, #tpu.memory_space<hbm>> -> memref<1x1x8x128xi32, #tpu.memory_space<hbm>>
    %dma_start3A_125 = tpu.memref_squeeze %dma_start3A_124 : memref<1x1x8x128xi32, #tpu.memory_space<hbm>> -> memref<8x128xi32, #tpu.memory_space<hbm>>
    %dma_start3A_126 = arith.constant 0 : i32
    %dma_start3A_127 = arith.constant 0 : i32
    %dma_start3A_128 = tpu.memref_slice %arg8[%dma_start3A_117, %dma_start3A_126, %dma_start3A_127] : memref<2x8x128xi32, #tpu.memory_space<vmem>> -> memref<1x8x128xi32, #tpu.memory_space<vmem>>
    %dma_start3A_129 = tpu.memref_squeeze %dma_start3A_128 : memref<1x8x128xi32, #tpu.memory_space<vmem>> -> memref<8x128xi32, #tpu.memory_space<vmem>>
    %dma_start3A_130 = arith.constant 0 : i32
    %dma_start3A_131 = arith.constant 0 : i32
    %dma_start3A_132 = tpu.memref_slice %arg4[%add3A, %dma_start3A_116, %dma_start3A_130, %dma_start3A_131] : memref<32x10x8x128xi32, #tpu.memory_space<hbm>> -> memref<1x1x8x128xi32, #tpu.memory_space<hbm>>
    %dma_start3A_133 = tpu.memref_squeeze %dma_start3A_132 : memref<1x1x8x128xi32, #tpu.memory_space<hbm>> -> memref<8x128xi32, #tpu.memory_space<hbm>>
    tpu.enqueue_dma source(%dma_start3A_133 : memref<8x128xi32, #tpu.memory_space<hbm>>) target(%dma_start3A_129 : memref<8x128xi32, #tpu.memory_space<vmem>>) target_semaphore(%arg14 : memref<!tpu.dma_semaphore, #tpu.memory_space<semaphore_mem>>)
    %scan3A_134 = arith.constant 0 : i32
    %scan3A_135 = arith.constant 0 : i32
    %scan3A_136 = arith.constant 79 : i32
    %scan3A_137 = arith.addi %scan3A_135, %scan3A_136 : i32
    %scan3A_138 = arith.constant 1 : i32
    scf.for %scan3A_159 = %scan3A_135 to %scan3A_137 step %scan3A_138  : i32 {
      %and3A = arith.constant 7 : i32
      %and3A_160 = arith.andi %scan3A_159, %and3A : i32
      %eq3A = arith.constant 0 : i32
      %eq3A_161 = arith.cmpi eq, %and3A_160, %eq3A : i32
      %convert_element_type3A = arith.extui %eq3A_161 : i1 to i32
      %cond3A = arith.constant 0 : i32
      %cond3A_162 = arith.cmpi ne, %convert_element_type3A, %cond3A : i32
      scf.if %cond3A_162 {
        %dma_wait3A_168 = arith.constant 0 : i32
        %dma_wait3A_169 = arith.constant 0 : i32
        %dma_wait3A_170 = arith.constant 0 : i32
        %dma_wait3A_171 = arith.constant 0 : i32
        %dma_wait3A_172 = tpu.memref_slice %arg8[%dma_wait3A_169, %dma_wait3A_170, %dma_wait3A_171] : memref<2x8x128xi32, #tpu.memory_space<vmem>> -> memref<1x8x128xi32, #tpu.memory_space<vmem>>
        %dma_wait3A_173 = tpu.memref_squeeze %dma_wait3A_172 : memref<1x8x128xi32, #tpu.memory_space<vmem>> -> memref<8x128xi32, #tpu.memory_space<vmem>>
        %dma_wait3A_174 = arith.constant 0 : i32
        %dma_wait3A_175 = arith.constant 0 : i32
        %dma_wait3A_176 = tpu.memref_slice %arg4[%add3A, %dma_wait3A_168, %dma_wait3A_174, %dma_wait3A_175] : memref<32x10x8x128xi32, #tpu.memory_space<hbm>> -> memref<1x1x8x128xi32, #tpu.memory_space<hbm>>
        %dma_wait3A_177 = tpu.memref_squeeze %dma_wait3A_176 : memref<1x1x8x128xi32, #tpu.memory_space<hbm>> -> memref<8x128xi32, #tpu.memory_space<hbm>>
        %dma_wait3A_178 = arith.constant 0 : i32
        %dma_wait3A_179 = arith.constant 0 : i32
        %dma_wait3A_180 = tpu.memref_slice %arg8[%dma_wait3A_169, %dma_wait3A_178, %dma_wait3A_179] : memref<2x8x128xi32, #tpu.memory_space<vmem>> -> memref<1x8x128xi32, #tpu.memory_space<vmem>>
        %dma_wait3A_181 = tpu.memref_squeeze %dma_wait3A_180 : memref<1x8x128xi32, #tpu.memory_space<vmem>> -> memref<8x128xi32, #tpu.memory_space<vmem>>
        %dma_wait3A_182 = arith.constant 0 : i32
        %dma_wait3A_183 = arith.constant 0 : i32
        %dma_wait3A_184 = tpu.memref_slice %arg4[%add3A, %dma_wait3A_168, %dma_wait3A_182, %dma_wait3A_183] : memref<32x10x8x128xi32, #tpu.memory_space<hbm>> -> memref<1x1x8x128xi32, #tpu.memory_space<hbm>>
        %dma_wait3A_185 = tpu.memref_squeeze %dma_wait3A_184 : memref<1x1x8x128xi32, #tpu.memory_space<hbm>> -> memref<8x128xi32, #tpu.memory_space<hbm>>
        tpu.wait_dma2 semaphore(%arg14 : memref<!tpu.dma_semaphore, #tpu.memory_space<semaphore_mem>>) src(%dma_wait3A_185 : memref<8x128xi32, #tpu.memory_space<hbm>>) dst(%dma_wait3A_181 : memref<8x128xi32, #tpu.memory_space<vmem>>)
        %shift_right_arithmetic3A_186 = arith.constant 3 : i32
        %shift_right_arithmetic3A_187 = arith.shrsi %scan3A_159, %shift_right_arithmetic3A_186 : i32
        %add3A_188 = arith.constant 1 : i32
        %add3A_189 = arith.addi %shift_right_arithmetic3A_187, %add3A_188 : i32
        %min3A = arith.constant 9 : i32
        %min3A_190 = arith.minsi %add3A_189, %min3A : i32
        %and3A_191 = arith.constant 1 : i32
        %and3A_192 = arith.andi %min3A_190, %and3A_191 : i32
        %dma_start3A_193 = arith.constant 0 : i32
        %dma_start3A_194 = arith.constant 0 : i32
        %dma_start3A_195 = tpu.memref_slice %arg8[%and3A_192, %dma_start3A_193, %dma_start3A_194] : memref<2x8x128xi32, #tpu.memory_space<vmem>> -> memref<1x8x128xi32, #tpu.memory_space<vmem>>
        %dma_start3A_196 = tpu.memref_squeeze %dma_start3A_195 : memref<1x8x128xi32, #tpu.memory_space<vmem>> -> memref<8x128xi32, #tpu.memory_space<vmem>>
        %dma_start3A_197 = arith.constant 0 : i32
        %dma_start3A_198 = arith.constant 0 : i32
        %dma_start3A_199 = tpu.memref_slice %arg4[%add3A, %min3A_190, %dma_start3A_197, %dma_start3A_198] : memref<32x10x8x128xi32, #tpu.memory_space<hbm>> -> memref<1x1x8x128xi32, #tpu.memory_space<hbm>>
        %dma_start3A_200 = tpu.memref_squeeze %dma_start3A_199 : memref<1x1x8x128xi32, #tpu.memory_space<hbm>> -> memref<8x128xi32, #tpu.memory_space<hbm>>
        %dma_start3A_201 = arith.constant 0 : i32
        %dma_start3A_202 = arith.constant 0 : i32
        %dma_start3A_203 = tpu.memref_slice %arg8[%and3A_192, %dma_start3A_201, %dma_start3A_202] : memref<2x8x128xi32, #tpu.memory_space<vmem>> -> memref<1x8x128xi32, #tpu.memory_space<vmem>>
        %dma_start3A_204 = tpu.memref_squeeze %dma_start3A_203 : memref<1x8x128xi32, #tpu.memory_space<vmem>> -> memref<8x128xi32, #tpu.memory_space<vmem>>
        %dma_start3A_205 = arith.constant 0 : i32
        %dma_start3A_206 = arith.constant 0 : i32
        %dma_start3A_207 = tpu.memref_slice %arg4[%add3A, %min3A_190, %dma_start3A_205, %dma_start3A_206] : memref<32x10x8x128xi32, #tpu.memory_space<hbm>> -> memref<1x1x8x128xi32, #tpu.memory_space<hbm>>
        %dma_start3A_208 = tpu.memref_squeeze %dma_start3A_207 : memref<1x1x8x128xi32, #tpu.memory_space<hbm>> -> memref<8x128xi32, #tpu.memory_space<hbm>>
        tpu.enqueue_dma source(%dma_start3A_208 : memref<8x128xi32, #tpu.memory_space<hbm>>) target(%dma_start3A_204 : memref<8x128xi32, #tpu.memory_space<vmem>>) target_semaphore(%arg14 : memref<!tpu.dma_semaphore, #tpu.memory_space<semaphore_mem>>)
      } else {
      }
      %shift_right_arithmetic3A = arith.constant 3 : i32
      %shift_right_arithmetic3A_163 = arith.shrsi %scan3A_159, %shift_right_arithmetic3A : i32
      %and3A_164 = arith.constant 1 : i32
      %and3A_165 = arith.andi %shift_right_arithmetic3A_163, %and3A_164 : i32
      %and3A_166 = arith.constant 7 : i32
      %and3A_167 = arith.andi %scan3A_159, %and3A_166 : i32
      "tpu.region"() ({
        %run_scoped3A = tpu.sem_alloc : memref<!tpu.dma_semaphore, #tpu.memory_space<semaphore_mem>>
        %dma_start3A_168 = arith.constant 0 : i32
        %dma_start3A_169 = tpu.memref_slice %arg8[%and3A_165, %and3A_167, %dma_start3A_168] : memref<2x8x128xi32, #tpu.memory_space<vmem>> -> memref<1x1x128xi32, #tpu.memory_space<vmem>>
        %dma_start3A_170 = tpu.memref_squeeze %dma_start3A_169 : memref<1x1x128xi32, #tpu.memory_space<vmem>> -> memref<128xi32, #tpu.memory_space<vmem>>
        %dma_start3A_171 = arith.constant 0 : i32
        %dma_start3A_172 = arith.constant 0 : i32
        %dma_start3A_173 = tpu.memref_slice %arg11[%dma_start3A_171, %dma_start3A_172] : memref<10016x128xf32, #tpu.memory_space<vmem_shared>> -> memref<10016x128xf32, #tpu.memory_space<vmem_shared>>
        tpu.enqueue_indirect_dma source(%arg9 : memref<128x128xf32, #tpu.memory_space<vmem>>) target(%dma_start3A_173 : memref<10016x128xf32, #tpu.memory_space<vmem_shared>>) offsets(%dma_start3A_170 : memref<128xi32, #tpu.memory_space<vmem>>) semaphore(%run_scoped3A : memref<!tpu.dma_semaphore, #tpu.memory_space<semaphore_mem>>) {add = true}
        %dma_wait3A_174 = arith.constant 0 : i32
        %dma_wait3A_175 = tpu.memref_slice %arg8[%and3A_165, %and3A_167, %dma_wait3A_174] : memref<2x8x128xi32, #tpu.memory_space<vmem>> -> memref<1x1x128xi32, #tpu.memory_space<vmem>>
        %dma_wait3A_176 = tpu.memref_squeeze %dma_wait3A_175 : memref<1x1x128xi32, #tpu.memory_space<vmem>> -> memref<128xi32, #tpu.memory_space<vmem>>
        %dma_wait3A_177 = arith.constant 0 : i32
        %dma_wait3A_178 = arith.constant 0 : i32
        %dma_wait3A_179 = tpu.memref_slice %arg11[%dma_wait3A_177, %dma_wait3A_178] : memref<10016x128xf32, #tpu.memory_space<vmem_shared>> -> memref<10016x128xf32, #tpu.memory_space<vmem_shared>>
        tpu.wait_indirect_dma semaphore(%run_scoped3A : memref<!tpu.dma_semaphore, #tpu.memory_space<semaphore_mem>>) src(%arg9 : memref<128x128xf32, #tpu.memory_space<vmem>>) dst(%dma_wait3A_179 : memref<10016x128xf32, #tpu.memory_space<vmem_shared>>)
        tpu.yield
      }) : () -> ()
    }
    %scan3A_139 = arith.constant 79 : i32
    %dma_wait3A_140 = arith.constant 0 : i32
    %dma_wait3A_141 = arith.constant 0 : i32
    %dma_wait3A_142 = arith.constant 0 : i32
    %dma_wait3A_143 = arith.constant 0 : i32
    %dma_wait3A_144 = tpu.memref_slice %arg8[%dma_wait3A_141, %dma_wait3A_142, %dma_wait3A_143] : memref<2x8x128xi32, #tpu.memory_space<vmem>> -> memref<1x8x128xi32, #tpu.memory_space<vmem>>
    %dma_wait3A_145 = tpu.memref_squeeze %dma_wait3A_144 : memref<1x8x128xi32, #tpu.memory_space<vmem>> -> memref<8x128xi32, #tpu.memory_space<vmem>>
    %dma_wait3A_146 = arith.constant 0 : i32
    %dma_wait3A_147 = arith.constant 0 : i32
    %dma_wait3A_148 = tpu.memref_slice %arg4[%add3A, %dma_wait3A_140, %dma_wait3A_146, %dma_wait3A_147] : memref<32x10x8x128xi32, #tpu.memory_space<hbm>> -> memref<1x1x8x128xi32, #tpu.memory_space<hbm>>
    %dma_wait3A_149 = tpu.memref_squeeze %dma_wait3A_148 : memref<1x1x8x128xi32, #tpu.memory_space<hbm>> -> memref<8x128xi32, #tpu.memory_space<hbm>>
    %dma_wait3A_150 = arith.constant 0 : i32
    %dma_wait3A_151 = arith.constant 0 : i32
    %dma_wait3A_152 = tpu.memref_slice %arg8[%dma_wait3A_141, %dma_wait3A_150, %dma_wait3A_151] : memref<2x8x128xi32, #tpu.memory_space<vmem>> -> memref<1x8x128xi32, #tpu.memory_space<vmem>>
    %dma_wait3A_153 = tpu.memref_squeeze %dma_wait3A_152 : memref<1x8x128xi32, #tpu.memory_space<vmem>> -> memref<8x128xi32, #tpu.memory_space<vmem>>
    %dma_wait3A_154 = arith.constant 0 : i32
    %dma_wait3A_155 = arith.constant 0 : i32
    %dma_wait3A_156 = tpu.memref_slice %arg4[%add3A, %dma_wait3A_140, %dma_wait3A_154, %dma_wait3A_155] : memref<32x10x8x128xi32, #tpu.memory_space<hbm>> -> memref<1x1x8x128xi32, #tpu.memory_space<hbm>>
    %dma_wait3A_157 = tpu.memref_squeeze %dma_wait3A_156 : memref<1x1x8x128xi32, #tpu.memory_space<hbm>> -> memref<8x128xi32, #tpu.memory_space<hbm>>
    tpu.wait_dma2 semaphore(%arg14 : memref<!tpu.dma_semaphore, #tpu.memory_space<semaphore_mem>>) src(%dma_wait3A_157 : memref<8x128xi32, #tpu.memory_space<hbm>>) dst(%dma_wait3A_153 : memref<8x128xi32, #tpu.memory_space<vmem>>)
    %barrier3A_158 = arith.constant 0 : index
    tpu.barrier barrier_id(%barrier3A_158)
    "tpu.region"() ({
      %run_scoped3A = tpu.sem_alloc : memref<!tpu.dma_semaphore, #tpu.memory_space<semaphore_mem>>
      %dma_start3A_159 = arith.constant 0 : i32
      %dma_start3A_160 = arith.constant 0 : i32
      %dma_start3A_161 = tpu.memref_slice %arg6[%arg0, %arg1, %dma_start3A_159, %dma_start3A_160] : memref<2x16x626x128xf32, #tpu.memory_space<hbm>> -> memref<1x1x626x128xf32, #tpu.memory_space<hbm>>
      %dma_start3A_162 = tpu.memref_squeeze %dma_start3A_161 : memref<1x1x626x128xf32, #tpu.memory_space<hbm>> -> memref<626x128xf32, #tpu.memory_space<hbm>>
      %dma_start3A_163 = arith.constant 0 : i32
      %dma_start3A_164 = tpu.memref_slice %arg11[%mul3A_2, %dma_start3A_163] : memref<10016x128xf32, #tpu.memory_space<vmem_shared>> -> memref<626x128xf32, #tpu.memory_space<vmem_shared>>
      tpu.enqueue_dma source(%dma_start3A_164 : memref<626x128xf32, #tpu.memory_space<vmem_shared>>) target(%dma_start3A_162 : memref<626x128xf32, #tpu.memory_space<hbm>>) target_semaphore(%run_scoped3A : memref<!tpu.dma_semaphore, #tpu.memory_space<semaphore_mem>>)
      %dma_wait3A_165 = arith.constant 0 : i32
      %dma_wait3A_166 = arith.constant 0 : i32
      %dma_wait3A_167 = tpu.memref_slice %arg6[%arg0, %arg1, %dma_wait3A_165, %dma_wait3A_166] : memref<2x16x626x128xf32, #tpu.memory_space<hbm>> -> memref<1x1x626x128xf32, #tpu.memory_space<hbm>>
      %dma_wait3A_168 = tpu.memref_squeeze %dma_wait3A_167 : memref<1x1x626x128xf32, #tpu.memory_space<hbm>> -> memref<626x128xf32, #tpu.memory_space<hbm>>
      %dma_wait3A_169 = arith.constant 0 : i32
      %dma_wait3A_170 = tpu.memref_slice %arg11[%mul3A_2, %dma_wait3A_169] : memref<10016x128xf32, #tpu.memory_space<vmem_shared>> -> memref<626x128xf32, #tpu.memory_space<vmem_shared>>
      tpu.wait_dma2 semaphore(%run_scoped3A : memref<!tpu.dma_semaphore, #tpu.memory_space<semaphore_mem>>) src(%dma_wait3A_170 : memref<626x128xf32, #tpu.memory_space<vmem_shared>>) dst(%dma_wait3A_168 : memref<626x128xf32, #tpu.memory_space<hbm>>)
      tpu.yield
    }) : () -> ()
    return
  }
}

module attributes {stable_mosaic.version = 14 : i64} {
  func.func @_combine_body(%arg0: memref<10000x128xf32, #tpu.memory_space<vmem>>, %arg1: memref<2x16x626x128xf32, #tpu.memory_space<vmem>>, %arg2: memref<2x16x626x128xf32, #tpu.memory_space<vmem>>, %arg3: memref<10000x128xf32, #tpu.memory_space<vmem>>) attributes {dimension_semantics = [], scalar_prefetch = 0 : i64, scratch_operands = 0 : i64, tpu.core_type = #tpu.core_type<tc>} {
    %get3A = arith.constant 0 : index
    %get3A_0 = arith.constant 0 : index
    %get3A_1 = arith.constant 0 : index
    %get3A_2 = arith.constant 0 : index
    %get3A_3 = vector.load %arg1[%get3A, %get3A_0, %get3A_1, %get3A_2] : memref<2x16x626x128xf32, #tpu.memory_space<vmem>>, vector<1x16x626x128xf32>
    %get3A_4 = vector.shape_cast %get3A_3 : vector<1x16x626x128xf32> to vector<16x626x128xf32>
    %reshape3A = vector.shape_cast %get3A_4 : vector<16x626x128xf32> to vector<10016x128xf32>
    %slice3A = vector.extract_strided_slice %reshape3A {offsets = [0, 0], sizes = [10000, 128], strides = [1, 1]} : vector<10016x128xf32> to vector<10000x128xf32>
    %get3A_5 = arith.constant 1 : index
    %get3A_6 = arith.constant 0 : index
    %get3A_7 = arith.constant 0 : index
    %get3A_8 = arith.constant 0 : index
    %get3A_9 = vector.load %arg1[%get3A_5, %get3A_6, %get3A_7, %get3A_8] : memref<2x16x626x128xf32, #tpu.memory_space<vmem>>, vector<1x16x626x128xf32>
    %get3A_10 = vector.shape_cast %get3A_9 : vector<1x16x626x128xf32> to vector<16x626x128xf32>
    %reshape3A_11 = vector.shape_cast %get3A_10 : vector<16x626x128xf32> to vector<10016x128xf32>
    %slice3A_12 = vector.extract_strided_slice %reshape3A_11 {offsets = [0, 0], sizes = [10000, 128], strides = [1, 1]} : vector<10016x128xf32> to vector<10000x128xf32>
    %get3A_13 = arith.constant 0 : index
    %get3A_14 = arith.constant 0 : index
    %get3A_15 = arith.constant 0 : index
    %get3A_16 = arith.constant 0 : index
    %get3A_17 = vector.load %arg2[%get3A_13, %get3A_14, %get3A_15, %get3A_16] : memref<2x16x626x128xf32, #tpu.memory_space<vmem>>, vector<1x16x626x128xf32>
    %get3A_18 = vector.shape_cast %get3A_17 : vector<1x16x626x128xf32> to vector<16x626x128xf32>
    %reshape3A_19 = vector.shape_cast %get3A_18 : vector<16x626x128xf32> to vector<10016x128xf32>
    %slice3A_20 = vector.extract_strided_slice %reshape3A_19 {offsets = [0, 0], sizes = [10000, 1], strides = [1, 1]} : vector<10016x128xf32> to vector<10000x1xf32>
    %get3A_21 = arith.constant 1 : index
    %get3A_22 = arith.constant 0 : index
    %get3A_23 = arith.constant 0 : index
    %get3A_24 = arith.constant 0 : index
    %get3A_25 = vector.load %arg2[%get3A_21, %get3A_22, %get3A_23, %get3A_24] : memref<2x16x626x128xf32, #tpu.memory_space<vmem>>, vector<1x16x626x128xf32>
    %get3A_26 = vector.shape_cast %get3A_25 : vector<1x16x626x128xf32> to vector<16x626x128xf32>
    %reshape3A_27 = vector.shape_cast %get3A_26 : vector<16x626x128xf32> to vector<10016x128xf32>
    %slice3A_28 = vector.extract_strided_slice %reshape3A_27 {offsets = [0, 0], sizes = [10000, 1], strides = [1, 1]} : vector<10016x128xf32> to vector<10000x1xf32>
    %add3A = arith.addf %slice3A_20, %slice3A_28 : vector<10000x1xf32>
    %max3A = arith.constant 1.000000e+00 : f32
    %max3A_29 = vector.broadcast %max3A : f32 to vector<10000x1xf32>
    %max3A_30 = arith.maximumf %add3A, %max3A_29 : vector<10000x1xf32>
    %get3A_31 = arith.constant 0 : index
    %get3A_32 = arith.constant 0 : index
    %get3A_33 = vector.load %arg0[%get3A_31, %get3A_32] : memref<10000x128xf32, #tpu.memory_space<vmem>>, vector<10000x128xf32>
    %add3A_34 = arith.addf %slice3A, %slice3A_12 : vector<10000x128xf32>
    %div3A = vector.broadcast %max3A_30 : vector<10000x1xf32> to vector<10000x128xf32>
    %div3A_35 = arith.divf %add3A_34, %div3A : vector<10000x128xf32>
    %sub3A = arith.subf %get3A_33, %div3A_35 : vector<10000x128xf32>
    %swap3A = arith.constant 0 : index
    %swap3A_36 = arith.constant 0 : index
    %swap3A_37 = vector.load %arg3[%swap3A, %swap3A_36] : memref<10000x128xf32, #tpu.memory_space<vmem>>, vector<10000x128xf32>
    tpu.vector_store %arg3[%swap3A, %swap3A_36], %sub3A {strides = array<i32>} : memref<10000x128xf32, #tpu.memory_space<vmem>>, vector<10000x128xf32>,
    return
  }
}

</mosaic_0001>

<sc_bundles>
// kernel: kernel.4.cloned.1.call-start
scs
__scs_entry_jumppad:
0x0: {  	(pc) =	sbr.rel $0x88, $3  }
0x1: {  	(tag) =	ssettag $0x0;
	lr =	simm.s32 $0x1  }
0x2: {  	[smem:$0x3F9F] =	sst lr;
	_ =	strace $0xD0000000  }
0x3: {  	_ = 	snop  }
0x4: {  	_ = 	snop  }
0x5: {  	_ = 	snop  }
0x6: {  	_ = 	snop  }
0x7: {  	_ = 	snop  }
__scs_overlays_trampoline_lowered:
0x8: {  	[smem:$0x3FAE] =	sst s0  }
0x9: {  	[smem:$0x3FAF] =	sst s1  }
0xa: {  	[smem:$0x3FB0] =	sst s2  }
0xb: {  	[smem:$0x3FB1] =	sst s3  }
0xc: {  	[smem:$0x3FB2] =	sst s4  }
0xd: {  	[smem:$0x3FB3] =	sst s5  }
0xe: {  	[smem:$0x3FB4] =	sst s6  }
0xf: {  	[smem:$0x3FB5] =	sst s7  }
0x10: {  	[smem:$0x3FB6] =	sst s8  }
0x11: {  	[smem:$0x3FB7] =	sst s9;
	s0 =	simm.s32 @!p0 $0x0  }
0x12: {  	s1 =	sld [smem:$0x3F9D];
	s0 =	simm.s32 @p0 $0x1  }
0x13: {  	[smem:$0x3FB8] =	sst s0;
	s0 =	simm.s32 @!p1 $0x0  }
0x14: {  	s2 =	sld [smem:$0x3F9C];
	s0 =	simm.s32 @p1 $0x1  }
0x15: {  	[smem:$0x3FB9] =	sst s0;
	s0 =	simm.s32 @!p2 $0x0  }
0x16: {  	s3 =	sld [smem:$0x3FDB];
	s0 =	simm.s32 @p2 $0x1  }
0x17: {  	s4 =	simm.s32 $0x1BF5;
	[smem:$0x3FBB] =	sst s0  }
0x18: {  	s0 =	sld [smem:$0x3F9E];
	_ =	swait.ge [sflag:s4], $0x0  }
0x19: {  	s7 =	sld [smem:$0x3F9F]  }
0x1a: {  	s8 =	sadd.s32 $0xFFFFE003, lr  }
0x1b: {  	s9 =	sadd.s32 $0xFFFFFEF7, lr;
	s5 =	simm.s32 $0xFFFFFFFF;
	p2 =	slt.u32 s8, $0xFFFFF086  }
0x1c: {  	p1 =	slt.u32 s9, $0xF7A;
	s5 =	simm.s32 @!p2 $0x0  }
0x1d: {  	s5 =	simm.s32 @p1 $0x1;
	p0 =	seq.s32 s7, s2  }
0x1e: {  	s7 =	smul.u32 @!p0 $0xF7A, s2;
	p2 =	seq.s32 @!p0 s5, $0x0  }
0x1f: {  	s9 =	smul.u32 $0xF7A, s1;
	s8 =	simm.s32 @!p0 $0x1BF5;
	p2 =	por !p2, p0  }
0x20: {  	[sflag:s8] =	ssyncset.s32 @!p0 $0xFFFFF086;
	s6 =	sadd.s32 @!p0 s3, s7;
	s7 =	simm.s32 @!p0 $0x108  }
0x21: {  	s3 =	sadd.s32 s3, s9;
	s6 =	sadd.s32 @!p0 $0x88, s6;
	s7 =	simm.s32 @p2 $0x1082  }
0x22: {  	[simem:s7], [sflag:s8] =	dma.local @!p0 [hbm:s6], $0xF7A  }
0x23: {  	s9 =	sor.u32 $0xD0000000, s2;
	s6 =	simm.s32 $0x108;
	_ =	swait.ge @!p0 [sflag:s8], $0x0  }
0x24: {  	s3 =	sadd.s32 $0x88, s3;
	s6 =	simm.s32 @!p1 $0x1082;
	[sflag:s4] =	ssyncset.s32 $0xFFFFF086  }
0x25: {  	[simem:s6], [sflag:s4] =	dma.local [hbm:s3], $0xF7A  }
0x26: {  	[smem:$0x3F9F] =	sst s1;
	(tag) =	ssettag s2;
	_ =	strace s9  }
0x27: {  	s1 =	sld [smem:$0x3FAF]  }
0x28: {  	s2 =	sld [smem:$0x3FB0]  }
0x29: {  	s4 =	sld [smem:$0x3FB2]  }
0x2a: {  	p0 =	seq.s32 s5, $0x0;
	s5 =	sld [smem:$0x3FB3]  }
0x2b: {  	s6 =	sld [smem:$0x3FB4]  }
0x2c: {  	s7 =	sld [smem:$0x3FB5]  }
0x2d: {  	s3 =	simm.s32 $0x108;
	s8 =	sld [smem:$0x3FB6]  }
0x2e: {  	s3 =	simm.s32 @!p0 $0x1082;
	s9 =	sld [smem:$0x3FB7]  }
0x2f: {  	lr =	sadd.s32 s0, s3;
	s0 =	sld [smem:$0x3FAE]  }
0x30: {  	s3 =	sld [smem:$0x3FB1]  }
0x31: {  	[smem:$0x3FBA] =	sst s10  }
0x32: {  	s10 =	sld [smem:$0x3FB8];
	_ =	sdelay $0x3  }
0x33: {  	p0 =	seq.s32 s10, $0x1;
	s10 =	sld [smem:$0x3FBA];
	_ =	sdelay $0x3  }
0x34: {  	[smem:$0x3FBA] =	sst s10  }
0x35: {  	s10 =	sld [smem:$0x3FB9];
	_ =	sdelay $0x3  }
0x36: {  	p1 =	seq.s32 s10, $0x1;
	s10 =	sld [smem:$0x3FBA];
	_ =	sdelay $0x3  }
0x37: {  	[smem:$0x3FBA] =	sst s10  }
0x38: {  	s10 =	sld [smem:$0x3FBB]  }
0x39: {  	_ = 	snop;
	(pc) =	sbr.ind lr, $3  }
0x3a: {  	_ = 	snop  }
0x3b: {  	_ = 	snop  }
0x3c: {  	p2 =	seq.s32 s10, $0x1;
	s10 =	sld [smem:$0x3FBA]  }
0x3d: {  	_ =	shalt  }
0x3e: {  	_ =	shalt  }
0x3f: {  	_ =	shalt  }
0x40: {  	_ =	shalt  }
0x41: {  	_ =	shalt  }
0x42: {  	_ =	shalt  }
0x43: {  	_ =	shalt  }
0x44: {  	_ =	shalt  }
0x45: {  	_ =	shalt  }
0x46: {  	_ =	shalt  }
0x47: {  	_ =	shalt  }
0x48: {  	_ =	shalt  }
0x49: {  	_ =	shalt  }
0x4a: {  	_ =	shalt  }
0x4b: {  	_ =	shalt  }
0x4c: {  	_ =	shalt  }
0x4d: {  	_ =	shalt  }
0x4e: {  	_ =	shalt  }
0x4f: {  	_ =	shalt  }
0x50: {  	_ =	shalt  }
0x51: {  	_ =	shalt  }
0x52: {  	_ =	shalt  }
0x53: {  	_ =	shalt  }
0x54: {  	_ =	shalt  }
0x55: {  	_ =	shalt  }
0x56: {  	_ =	shalt  }
0x57: {  	_ =	shalt  }
0x58: {  	_ =	shalt  }
0x59: {  	_ =	shalt  }
0x5a: {  	_ =	shalt  }
0x5b: {  	_ =	shalt  }
0x5c: {  	_ =	shalt  }
0x5d: {  	_ =	shalt  }
0x5e: {  	_ =	shalt  }
0x5f: {  	_ =	shalt  }
0x60: {  	_ =	shalt  }
0x61: {  	_ =	shalt  }
0x62: {  	_ =	shalt  }
0x63: {  	_ =	shalt  }
0x64: {  	_ =	shalt  }
0x65: {  	_ =	shalt  }
0x66: {  	_ =	shalt  }
0x67: {  	_ =	shalt  }
0x68: {  	_ =	shalt  }
0x69: {  	_ =	shalt  }
0x6a: {  	_ =	shalt  }
0x6b: {  	_ =	shalt  }
0x6c: {  	_ =	shalt  }
0x6d: {  	_ =	shalt  }
0x6e: {  	_ =	shalt  }
0x6f: {  	_ =	shalt  }
0x70: {  	_ =	shalt  }
0x71: {  	_ =	shalt  }
0x72: {  	_ =	shalt  }
0x73: {  	_ =	shalt  }
0x74: {  	_ =	shalt  }
0x75: {  	_ =	shalt  }
0x76: {  	_ =	shalt  }
0x77: {  	_ =	shalt  }
0x78: {  	_ =	shalt  }
0x79: {  	_ =	shalt  }
0x7a: {  	_ =	shalt  }
0x7b: {  	_ =	shalt  }
0x7c: {  	_ =	shalt  }
0x7d: {  	_ =	shalt  }
0x7e: {  	_ =	shalt  }
0x7f: {  	_ =	shalt  }
0x80: {  	_ =	shalt  }
0x81: {  	_ =	shalt  }
0x82: {  	_ =	shalt  }
0x83: {  	_ =	shalt  }
0x84: {  	_ =	shalt  }
0x85: {  	_ =	shalt  }
0x86: {  	_ =	shalt  }
0x87: {  	_ =	shalt  }
.Lfunc_end0:
.L_simem_size_0:
called_computation_lowered:
.L_overlay_start_0:
0x88: {  	s2 =	sld [smem:$0x3FD9]  }
0x89: {  	s3 =	sld [smem:$0x3FFE];
	_ =	sdelay $0x1  }
0x8a: {  	s1 =	srdreg.scid  }
0x8b: {  	s0 =	sand.u32 $0x1, s1  }
0x8c: {  	s17 =	sshll.u32 s0, $0xA;
	s2 =	sadd.s32 s3, s2  }
0x8d: {  	s2 =	sadd.s32 s2, s17  }
0x8e: {  	[smem:$0x3FC6] =	sst s2  }
0x8f: {  	_ = 	snop  }
0x90: {  	s2 =	sld [smem:$0x3FC9]  }
0x91: {  	s18 =	sld [smem:$0x3FD0];
	(tm) =	ssettm $0x1  }
0x92: {  	s4 =	sld [smem:$0x3FFB];
	_ =	sdelay $0x3  }
0x93: {  	_ =	strace s4  }
0x94: {  	s4 =	sld [smem:$0x3FFC];
	_ =	sdelay $0x3  }
0x95: {  	_ =	strace s4  }
0x96: {  	s4 =	sld [smem:$0x3FFD];
	_ =	sdelay $0x3  }
0x97: {  	_ =	strace s4  }
0x98: {  	_ =	strace $0x8FFFFFFF  }
0x99: {  	s19 =	sld [smem:$0x3FDB];
	_ =	sdelay $0x1  }
0x9a: {  	s5 =	simm.s32 $_scs_section_size  }
0x9b: {  	s6 =	simm.s32 $_size__tile_overlayer_lowered;
	s7 =	simm.s32 $_tile_overlayer_lowered  }
0x9c: {  	s22 =	simm.s32 $0x1BFF;
	s21 =	sshll.u32 s7, $0x1;
	s4 =	sadd.s32 s5, s19  }
0x9d: {  	s8 =	simm.s32 $0x0;
	s20 =	sshll.u32 s6, $0x1;
	s6 =	sadd.s32 s21, s4  }
0x9e: {  	[timem:s8], [sflag:s22] =	dma.local [hbm:s6], s20  }
0x9f: {  	_ =	swait.ge [sflag:s22], s20  }
0xa0: {  	s5 =	ssub.s32 $0x0, s20;
	[sflag:s22] =	ssyncset.done $0x0  }
0xa1: {  	[sflag:s22] =	ssyncadd.s32 s5;
	_ =	sdelay $0x1  }
0xa2: {  	s23 =	simm.s32 $0x1B8B  }
0xa3: {  	_ =	swait.ge [sflag:s23], $0x1  }
0xa4: {  	[sflag:s23] =	ssyncset.done $0x0  }
0xa5: {  	s25 =	simm.s32 $0x1B8E;
	s24 =	sld [smem:$0x3FFE];
	[sflag:s23] =	ssyncadd.s32 $0xFFFFFFFF  }
0xa6: {  	s26 =	simm.s32 $execute0_lowered;
	[smem:$0x3FD2] =	sst s25  }
0xa7: {  	s6 =	sshll.u32 s26, $0x1;
	_ =	strace $0x80000046;
	[dreg:$0x1] =	wrdreg $0xFFFFFFFF  }
0xa8: {  	s28 =	simm.s32 $_size_execute0_lowered;
	s4 =	sadd.s32 s4, s6;
	[dreg:$0x0] =	wrdreg $0x0  }
0xa9: {  	s6 =	sshll.u32 s28, $0x1;
	[dreg:$0x2] =	wrdreg s4  }
0xaa: {  	[dreg:$0x3] =	wrdreg s6  }
0xab: {  	[dreg:$0x4] =	wrdreg $0xC0  }
0xac: {  	_ =	task [dreg:s8], $0x5FFFF  }
0xad: {  	[dreg:$0x1] =	wrdreg $0xFFFFFFFF  }
0xae: {  	[dreg:$0x0] =	wrdreg $0x60  }
0xaf: {  	[dreg:$0x2] =	wrdreg s2  }
0xb0: {  	[dreg:$0x3] =	wrdreg s18  }
0xb1: {  	[dreg:$0x4] =	wrdreg s24  }
0xb2: {  	[dreg:$0x5] =	wrdreg $0xB0000  }
0xb3: {  	[dreg:$0x6] =	wrdreg $0x9  }
0xb4: {  	_ =	task.clear_ibuf [dreg:s8], $0x7FFFF;
	_ =	strace $0x90000046  }
0xb5: {  	s29 =	simm.s32 $0x9;
	_ =	strace $0x80000048  }
0xb6: {  	_ =	swait.ge [sflag:s29], $0x1  }
0xb7: {  	[sflag:s29] =	ssyncadd.s32 $0xFFFFFFFF  }
0xb8: {  	_ =	strace $0x90000048  }
0xb9: {  	_ =	sfence  }
0xba: {  	s30 =	sld [smem:$0x0];
	_ =	sdelay $0x2  }
0xbb: {  	s31 =	sshll.u32 s1, $0xD;
	s1 =	sshrl.u32 s1, $0x2  }
0xbc: {  	s3 =	sand.u32 $0x4000, s31;
	s1 =	sadd.s32 s1, s30  }
0xbd: {  	s0 =	sor.u32 s3, s0;
	s1 =	sshll.u32 s1, $0x11  }
0xbe: {  	s0 =	sor.u32 s1, s0  }
0xbf: {  	s0 =	sadd.s32 $0x8F2B, s0  }
0xc0: {  	[sflag:s0] =	ssyncadd.remote.s32 $0x1  }
0xc1: {  	_ =	sfence.sel $0xFFFF  }
0xc2: {  	[dreg:$0x0] =	wrdreg $0xFFFFFFFF;
	(pc) =	sbr.abs _section_cstart, $3  }
0xc3: {  	[dreg:$0x1] =	wrdreg $0xFFFFFFFF  }
0xc4: {  	_ =	task.clear_ibuf [dreg:s8], $0x2FFFF;
	_ =	strace $0x9FFFFFFF  }
0xc5: {  	(tm) =	ssettm $0x7FFFFFFF  }
tec
execute0_lowered:
.L_overlay_start_1:
0x0: {  	(tag) =	ssettag $0x1  }
0x1: {  	s1 =	rddreg [dreg:$0x0]  }
0x2: {  	s0 =	rddreg [dreg:$0x1]  }
0x3: {  	s3 =	rddreg [dreg:$0x2]  }
0x4: {  	s2 =	rddreg [dreg:$0x3]  }
0x5: {  	s4 =	srdreg.scid;
	s11 =	stileid.u32  }
0x6: {  	s17 =	simm.s32 $0x3000;
	s18 =	simm.s32 $0x4;
	s15 =	simm.s32 $0x2800  }
0x7: {  	s20 =	simm.s32 $0x80;
	s22 =	simm.s32 $0x1;
	s23 =	simm.s32 $0x2  }
0x8: {  	s24 =	simm.s32 $0x3;
	s6 =	sand.u32 $0x1, s4;
	s8 =	smul.u32 $0x13C00, s11  }
0x9: {  	s4 =	simm.s32 $0x0;
	s5 =	sadd.s32 $0xA00, s3;
	s9 =	smul.u32 $0x4E400, s11  }
0xa: {  	s7 =	smul.u32 $0x13C000, s6;
	[smem:$0x7FF] =	sst s4;
	s26 =	sshll.u32 s6, $0x4  }
0xb: {  	s10 =	ssub.s32 $0x2, s6;
	_ =	strace $0x80000047;
	s28 =	sor.u32 s11, s26  }
0xc: {  	s29 =	sshrl.u32 s10, $0x1;
	s7 =	sadd.s32 s8, s7;
	s6 =	smul.u32 $0x2800, s28  }
0xd: {  	s9 =	sshrl.u32 s9, $0x2;
	s12 =	ssub.s32 s10, s29;
	s7 =	sshrl.u32 s7, $0x3  }
0xe: {  	s3 =	sadd.s32 s7, s3;
	s7 =	sadd.s32 s9, s2;
	s13 =	sshrl.u32 s6, $0x3  }
0xf: {  	s16 =	smax.u32 s12, $0x1;
	s8 =	sadd.s32 $0x4000, s7;
	s0 =	sadd.s32 s0, s13  }
0x10: {  	s9 =	sadd.s32 $0x8000, s7;
	s30 =	sadd.s32 $0xAA00, s3;
	[dreg:$0x5] =	wrdreg s0  }
0x11: {  	s10 =	sadd.s32 $0xC000, s7;
	s31 =	sadd.s32 $0x59A00, s3;
	[dreg:$0x6] =	wrdreg s30  }
0x12: {  	v0 =	vimm.f32 $0.0e+00;
	v1 =	vimm.f32 $1.000000000e+00;
	s11 =	sadd.s32 $0x10000, s7;
	s13 =	sadd.s32 s5, s13;
	[dreg:$0x7] =	wrdreg s31  }
.LBB2_1:
0x13: {  	s0 =	simm.s32 $0x0;
	s3 =	simm.s32 $0x200  }
.LBB2_2:
0x14: {  	p0 =	sne.s32 s3, $0xFE00;
	[tilespmem:s0+$0x3070] =	vst v0  }
0x15: {  	[tilespmem:s0+$0x3000] =	vst v0  }
0x16: {  	[tilespmem:s0+$0x3010] =	vst v0  }
.Ltmp0:
0x17: {  	[tilespmem:s0+$0x3020] =	vst v0;
	(pc) =	sbr.rel @p0 .LBB2_2-.Ltmp0, $4  }
0x18: {  	[tilespmem:s0+$0x3030] =	vst v0  }
0x19: {  	[tilespmem:s0+$0x3040] =	vst v0  }
0x1a: {  	[tilespmem:s0+$0x3050] =	vst v0  }
0x1b: {  	[tilespmem:s0+$0x3060] =	vst v0;
	s0 =	sshra.s32 s3, $0x2;
	s3 =	sadd.s32 $0x200, s3  }
0x1c: {  	[tilespmem:s0+$0x3070] =	vst v0  }
0x1d: {  	[tilespmem:s0+$0x3000] =	vst v0  }
0x1e: {  	[tilespmem:s0+$0x3010] =	vst v0  }
0x1f: {  	[tilespmem:s0+$0x3020] =	vst v0  }
0x20: {  	[tilespmem:s0+$0x3030] =	vst v0  }
0x21: {  	[tilespmem:s0+$0x3040] =	vst v0  }
0x22: {  	[tilespmem:s0+$0x3050] =	vst v0  }
0x23: {  	[tilespmem:s0+$0x3060] =	vst v0  }
0x24: {  	[spmem:s7] =	stream.linear.scatter [tilespmem:s17], [sflag:$0x4], $0x4000, $0x38;
	[tilespmem:$0x1E900] =	vst v63  }
0x25: {  	_ =	swait.ge [sflag:s18], $0x4000  }
0x26: {  	[sflag:s18] =	ssyncset.done $0x0  }
0x27: {  	[sflag:s18] =	ssyncadd.s32 $0xFFFFC000  }
0x28: {  	[spmem:s8] =	stream.linear.scatter [tilespmem:s17], [sflag:$0x4], $0x4000, $0x38;
	[tilespmem:$0x1E900] =	vst v63  }
0x29: {  	_ =	swait.ge [sflag:s18], $0x4000  }
0x2a: {  	[sflag:s18] =	ssyncset.done $0x0  }
0x2b: {  	[sflag:s18] =	ssyncadd.s32 $0xFFFFC000  }
0x2c: {  	[spmem:s9] =	stream.linear.scatter [tilespmem:s17], [sflag:$0x4], $0x4000, $0x38;
	[tilespmem:$0x1E900] =	vst v63  }
0x2d: {  	_ =	swait.ge [sflag:s18], $0x4000  }
0x2e: {  	[sflag:s18] =	ssyncset.done $0x0  }
0x2f: {  	[sflag:s18] =	ssyncadd.s32 $0xFFFFC000  }
0x30: {  	[spmem:s10] =	stream.linear.scatter [tilespmem:s17], [sflag:$0x4], $0x4000, $0x38;
	[tilespmem:$0x1E900] =	vst v63  }
0x31: {  	_ =	swait.ge [sflag:s18], $0x4000  }
0x32: {  	[sflag:s18] =	ssyncset.done $0x0  }
0x33: {  	[sflag:s18] =	ssyncadd.s32 $0xFFFFC000  }
0x34: {  	[spmem:s11] =	stream.linear.scatter [tilespmem:s17], [sflag:$0x4], $0x3900, $0x38;
	[tilespmem:$0x1E900] =	vst v63  }
0x35: {  	s28 =	simm.s32 $0x0;
	s25 =	simm.s32 $0x7000;
	_ =	swait.ge [sflag:s18], $0x3900  }
0x36: {  	s29 =	simm.s32 $0x2;
	s26 =	sand.u32 $0x7, s28;
	[sflag:s18] =	ssyncset.done $0x0  }
0x37: {  	p1 =	sne.s32 s26, $0x0;
	s21 =	rddreg [dreg:$0x5];
	[sflag:s18] =	ssyncadd.s32 $0xFFFFC700  }
0x38: {  	[tilespmem:s28], [sflag:$0x4] =	stream.linear.gather [hbm4b:s21+s28], $0x2780, $0x38;
	[tilespmem:$0x1E900] =	vst v63  }
0x39: {  	s12 =	sand.u32 $0x1, s28;
	s0 =	simm.s32 @!p1 $0x0;
	_ =	swait.ge [sflag:s18], $0x2780  }
0x3a: {  	p0 =	seq.s32 s12, $0x1;
	s0 =	smin.u32 @!p1 s0, $0x8;
	[sflag:s18] =	ssyncset.done $0x0  }
0x3b: {  	s26 =	simm.s32 $0x80;
	s0 =	sshll.u32 @!p1 s0, $0xA;
	[sflag:s18] =	ssyncadd.s32 $0xFFFFD880  }
0x3c: {  	[tilespmem:s15], [sflag:$0x3] =	stream.linear.gather [hbm4b:s13+s28], $0x400, $0x38;
	[tilespmem:$0x1E900] =	vst v63  }
0x3d: {  	s19 =	simm.s32 @!p1 $0x3;
	s0 =	sadd.s32 @!p1 $0x400, s0;
	[bflag:$0x0] =	sbarrier.arrive $0xFFFF  }
0x3e: {  	[tilespmem:s17], [sflag:$0x1] =	stream.indirect.gather [hbm4b:s1+s20], $0x80, s28, s20, $0xb8;
	[tilespmem:$0x1E900] =	vst v63  }
0x3f: {  	s12 =	sand.u32 @!p0 $0x700, s28;
	p0 =	por p0, p0;
	s3 =	sadd.s32 @!p1 s6, s0  }
0x40: {  	[tilespmem:s25], [sflag:$0x2] =	stream.indirect.gather [hbm4b:s1+s20], $0x80, s20, s20, $0xb8;
	[tilespmem:$0x1E900] =	vst v63  }
0x41: {  	s0 =	sand.u32 @!p1 $0x400, s0;
	s3 =	sshrl.u32 @!p1 s3, $0x3;
	_ =	swait.ge @!p1 [sflag:s19], $0x400  }
0x42: {  	s0 =	sor.u32 @!p1 $0x2800, s0;
	s3 =	sadd.s32 @!p1 s5, s3;
	[sflag:s19] =	ssyncset.done @!p1 $0x0  }
0x43: {  	s21 =	simm.s32 @!p1 $0x0;
	[sflag:s19] =	ssyncadd.s32 @!p1 $0xFFFFFC00;
	s19 =	simm.s32 @p0 $0x2  }
0x44: {  	[tilespmem:s0], [sflag:$0x3] =	stream.linear.gather @!p1 [hbm4b:s3+s21], $0x400, $0x38;
	[tilespmem:$0x1E900] =	vst v63  }
0x45: {  	s30 =	sor.u32 @!p0 $0x2800, s12;
	s0 =	sand.u32 @p0 $0x780, s28;
	_ =	swait.ge @p0 [sflag:s19], $0x4000  }
0x46: {  	s21 =	simm.s32 @p0 $0x80;
	s3 =	sor.u32 @p0 $0x2800, s0;
	[sflag:s19] =	ssyncset.done @p0 $0x0  }
0x47: {  	s0 =	simm.s32 @p0 $0x4;
	[sflag:s19] =	ssyncadd.s32 @p0 $0xFFFFC000;
	s19 =	simm.s32 @p0 $0x7000  }
0x48: {  	[spmem:s2] =	stream.indirect.scatter.add.f32 @p0 [tilespmem:s19], [sflag:$0x4], $0x80, s3, s21, $0xb8;
	[tilespmem:$0x1E900] =	vst v63  }
0x49: {  	s31 =	simm.s32 @!p0 $0x4;
	s25 =	simm.s32 $0x1;
	_ =	swait.ge @p0 [sflag:s0], $0x4000  }
0x4a: {  	s12 =	sand.u32 $0x7, s25;
	s3 =	simm.s32 @!p0 $0x1;
	[sflag:s0] =	ssyncset.done @p0 $0x0  }
.LBB2_4:
0x4b: {  	p2 =	sne.s32 s12, $0x0;
	s12 =	smin.u32 s28, $0x4C  }
0x4c: {  	s28 =	smov.u32 s25;
	s25 =	smov.u32 s29;
	s29 =	sadd.s32 $0x1, s29  }
0x4d: {  	p1 =	sne.s32 s29, $0x4F;
	s14 =	sshrl.u32 @!p2 s28, $0x3;
	s12 =	sshll.u32 s12, $0x7  }
0x4e: {  	s14 =	smin.u32 @!p2 s14, $0x8;
	s12 =	sadd.s32 $0x100, s12;
	[sflag:s0] =	ssyncadd.s32 @p0 $0xFFFFC000  }
0x4f: {  	[tilespmem:s19], [sflag:$0x2] =	stream.indirect.gather @p0 [hbm4b:s1+s21], $0x80, s12, s21, $0xb8;
	[tilespmem:$0x1E900] =	vst v63  }
0x50: {  	s0 =	sshll.u32 @!p2 s14, $0xA;
	s14 =	simm.s32 @!p0 $0x3000;
	_ =	swait.ge @!p0 [sflag:s3], $0x4000  }
0x51: {  	s19 =	simm.s32 @!p0 $0x80;
	s0 =	sadd.s32 @!p2 $0x400, s0;
	[sflag:s3] =	ssyncset.done @!p0 $0x0  }
0x52: {  	s21 =	sadd.s32 @!p2 s6, s0;
	s0 =	sand.u32 @!p2 $0x400, s0;
	[sflag:s3] =	ssyncadd.s32 @!p0 $0xFFFFC000  }
0x53: {  	[spmem:s2] =	stream.indirect.scatter.add.f32 @!p0 [tilespmem:s14], [sflag:$0x4], $0x80, s30, s19, $0xb8;
	[tilespmem:$0x1E900] =	vst v63  }
0x54: {  	s3 =	sshrl.u32 @!p2 s21, $0x3;
	_ =	swait.ge @!p0 [sflag:s31], $0x4000  }
0x55: {  	s21 =	sand.u32 $0x1, s28;
	[sflag:s31] =	ssyncset.done @!p0 $0x0  }
0x56: {  	s15 =	simm.s32 @!p2 $0x3;
	p3 =	seq.s32 s21, $0x1;
	[sflag:s31] =	ssyncadd.s32 @!p0 $0xFFFFC000  }
0x57: {  	[tilespmem:s14], [sflag:$0x1] =	stream.indirect.gather @!p0 [hbm4b:s1+s19], $0x80, s12, s19, $0xb8;
	[tilespmem:$0x1E900] =	vst v63  }
0x58: {  	s12 =	sand.u32 @!p3 $0x700, s26;
	p0 =	por p3, p3;
	_ =	swait.ge @!p2 [sflag:s15], $0x400  }
0x59: {  	s14 =	simm.s32 @!p2 $0x0;
	s30 =	sor.u32 @!p0 $0x2800, s12;
	[sflag:s15] =	ssyncset.done @!p2 $0x0  }
0x5a: {  	s0 =	sor.u32 @!p2 $0x2800, s0;
	s12 =	sand.u32 @p0 $0x780, s26;
	[sflag:s15] =	ssyncadd.s32 @!p2 $0xFFFFFC00  }
0x5b: {  	s3 =	sadd.s32 @!p2 s5, s3;
	s12 =	sor.u32 @p0 $0x2800, s12;
	s15 =	simm.s32 @p0 $0x2  }
0x5c: {  	[tilespmem:s0], [sflag:$0x3] =	stream.linear.gather @!p2 [hbm4b:s3+s14], $0x400, $0x38;
	[tilespmem:$0x1E900] =	vst v63  }
0x5d: {  	_ =	swait.ge @p0 [sflag:s15], $0x4000  }
.Ltmp1:
0x5e: {  	s0 =	simm.s32 @p0 $0x4;
	[sflag:s15] =	ssyncset.done @p0 $0x0;
	(pc) =	sbr.rel @p1 .LBB2_4-.Ltmp1, $4  }
0x5f: {  	s21 =	simm.s32 @p0 $0x80;
	s19 =	simm.s32 @p0 $0x7000;
	[sflag:s15] =	ssyncadd.s32 @p0 $0xFFFFC000  }
0x60: {  	[spmem:s2] =	stream.indirect.scatter.add.f32 @p0 [tilespmem:s19], [sflag:$0x4], $0x80, s12, s21, $0xb8;
	[tilespmem:$0x1E900] =	vst v63  }
0x61: {  	s31 =	simm.s32 @!p0 $0x4;
	s26 =	sadd.s32 $0x80, s26;
	_ =	swait.ge @p0 [sflag:s0], $0x4000  }
0x62: {  	s3 =	simm.s32 @!p0 $0x1;
	s12 =	sand.u32 $0x7, s25;
	[sflag:s0] =	ssyncset.done @p0 $0x0  }
0x63: {  	s14 =	smin.u32 s28, $0x4C  }
0x64: {  	s14 =	sshll.u32 s14, $0x7  }
0x65: {  	p1 =	sne.s32 s12, $0x0;
	[sflag:s0] =	ssyncadd.s32 @p0 $0xFFFFC000;
	s12 =	sadd.s32 $0x100, s14  }
0x66: {  	[tilespmem:s19], [sflag:$0x2] =	stream.indirect.gather @p0 [hbm4b:s1+s21], $0x80, s12, s21, $0xb8;
	[tilespmem:$0x1E900] =	vst v63  }
0x67: {  	s15 =	simm.s32 @!p0 $0x80;
	_ =	swait.ge @!p0 [sflag:s3], $0x4000  }
0x68: {  	s28 =	sand.u32 $0x1, s25;
	s0 =	sshrl.u32 @!p1 s25, $0x3;
	[sflag:s3] =	ssyncset.done @!p0 $0x0  }
0x69: {  	s0 =	smin.u32 @!p1 s0, $0x8;
	s14 =	simm.s32 @!p0 $0x3000;
	[sflag:s3] =	ssyncadd.s32 @!p0 $0xFFFFC000  }
0x6a: {  	[spmem:s2] =	stream.indirect.scatter.add.f32 @!p0 [tilespmem:s14], [sflag:$0x4], $0x80, s30, s15, $0xb8;
	[tilespmem:$0x1E900] =	vst v63  }
0x6b: {  	p2 =	seq.s32 s28, $0x1;
	s0 =	sshll.u32 @!p1 s0, $0xA;
	_ =	swait.ge @!p0 [sflag:s31], $0x4000  }
0x6c: {  	s19 =	simm.s32 @!p1 $0x3;
	s0 =	sadd.s32 @!p1 $0x400, s0;
	[sflag:s31] =	ssyncset.done @!p0 $0x0  }
0x6d: {  	s3 =	sadd.s32 @!p1 s6, s0;
	s0 =	sand.u32 @!p1 $0x400, s0;
	[sflag:s31] =	ssyncadd.s32 @!p0 $0xFFFFC000  }
0x6e: {  	[tilespmem:s14], [sflag:$0x1] =	stream.indirect.gather @!p0 [hbm4b:s1+s15], $0x80, s12, s15, $0xb8;
	[tilespmem:$0x1E900] =	vst v63  }
0x6f: {  	s3 =	sshrl.u32 @!p1 s3, $0x3;
	s0 =	sor.u32 @!p1 $0x2800, s0;
	_ =	swait.ge @!p1 [sflag:s19], $0x400  }
0x70: {  	s3 =	sadd.s32 @!p1 s5, s3;
	p0 =	por p2, p2;
	[sflag:s19] =	ssyncset.done @!p1 $0x0  }
0x71: {  	s12 =	simm.s32 @!p1 $0x0;
	s14 =	simm.s32 @p0 $0x2;
	[sflag:s19] =	ssyncadd.s32 @!p1 $0xFFFFFC00  }
0x72: {  	[tilespmem:s0], [sflag:$0x3] =	stream.linear.gather @!p1 [hbm4b:s3+s12], $0x400, $0x38;
	[tilespmem:$0x1E900] =	vst v63  }
0x73: {  	s0 =	sand.u32 @p0 $0x780, s26;
	_ =	swait.ge @p0 [sflag:s14], $0x4000  }
0x74: {  	s3 =	simm.s32 @p0 $0x4;
	s12 =	simm.s32 @p0 $0x80;
	[sflag:s14] =	ssyncset.done @p0 $0x0  }
0x75: {  	s0 =	sor.u32 @p0 $0x2800, s0;
	[sflag:s14] =	ssyncadd.s32 @p0 $0xFFFFC000;
	s14 =	simm.s32 @p0 $0x7000  }
0x76: {  	[spmem:s2] =	stream.indirect.scatter.add.f32 @p0 [tilespmem:s14], [sflag:$0x4], $0x80, s0, s12, $0xb8;
	[tilespmem:$0x1E900] =	vst v63  }
0x77: {  	s29 =	smin.u32 s25, $0x4C;
	_ =	swait.ge @p0 [sflag:s3], $0x4000  }
0x78: {  	s0 =	sshll.u32 s29, $0x7;
	[sflag:s3] =	ssyncset.done @p0 $0x0  }
0x79: {  	s15 =	simm.s32 @!p0 $0x1;
	s0 =	sadd.s32 $0x100, s0;
	[sflag:s3] =	ssyncadd.s32 @p0 $0xFFFFC000  }
0x7a: {  	[tilespmem:s14], [sflag:$0x2] =	stream.indirect.gather @p0 [hbm4b:s1+s12], $0x80, s0, s12, $0xb8;
	[tilespmem:$0x1E900] =	vst v63  }
0x7b: {  	s3 =	sand.u32 @!p2 $0x700, s26;
	_ =	swait.ge @!p0 [sflag:s15], $0x4000  }
0x7c: {  	s19 =	simm.s32 @!p0 $0x80;
	s3 =	sor.u32 @!p0 $0x2800, s3;
	[sflag:s15] =	ssyncset.done @!p0 $0x0  }
0x7d: {  	s12 =	simm.s32 @!p0 $0x4;
	s14 =	simm.s32 @!p0 $0x3000;
	[sflag:s15] =	ssyncadd.s32 @!p0 $0xFFFFC000  }
0x7e: {  	[spmem:s2] =	stream.indirect.scatter.add.f32 @!p0 [tilespmem:s14], [sflag:$0x4], $0x80, s3, s19, $0xb8;
	[tilespmem:$0x1E900] =	vst v63  }
0x7f: {  	_ =	swait.ge @!p0 [sflag:s12], $0x4000  }
0x80: {  	[sflag:s12] =	ssyncset.done @!p0 $0x0  }
0x81: {  	[sflag:s12] =	ssyncadd.s32 @!p0 $0xFFFFC000  }
0x82: {  	[tilespmem:s14], [sflag:$0x1] =	stream.indirect.gather @!p0 [hbm4b:s1+s19], $0x80, s0, s19, $0xb8;
	[tilespmem:$0x1E900] =	vst v63  }
0x83: {  	_ =	swait.ge [sflag:s22], $0x4000  }
0x84: {  	[sflag:s22] =	ssyncset.done $0x0  }
0x85: {  	[sflag:s22] =	ssyncadd.s32 $0xFFFFC000  }
0x86: {  	_ =	swait.ge [sflag:s23], $0x4000  }
0x87: {  	[sflag:s23] =	ssyncset.done $0x0  }
0x88: {  	[sflag:s23] =	ssyncadd.s32 $0xFFFFC000  }
0x89: {  	_ =	swait.ge [sflag:s24], $0x400  }
0x8a: {  	[sflag:s24] =	ssyncset.done $0x0  }
0x8b: {  	s30 =	stileid.u32;
	[sflag:s24] =	ssyncadd.s32 $0xFFFFFC00  }
0x8c: {  	s0 =	sshll.u32 s30, $0x6;
	[bflag:$0x0] =	sbarrier.arrive $0xFFFF  }
0x8d: {  	s26 =	sshrl.u32 s7, $0x3;
	s25 =	sor.u32 $0x1C04, s0;
	s31 =	rddreg [dreg:$0x6]  }
0x8e: {  	[hbm:s31], [sflag:s25] =	dma.local [spmem:s26], $0x2720  }
0x8f: {  	_ =	swait.ge [sflag:s18], $0x2720  }
0x90: {  	[sflag:s18] =	ssyncset.done $0x0  }
0x91: {  	[sflag:s18] =	ssyncadd.s32 $0xFFFFD8E0  }
0x92: {  	s3 =	simm.s32 $0x200;
	s0 =	simm.s32 $0x0;
	[bflag:$0x0] =	sbarrier.arrive $0xFFFF  }
.LBB2_6:
0x93: {  	p0 =	sne.s32 s3, $0xFE00;
	[tilespmem:s0+$0x3070] =	vst v0  }
0x94: {  	[tilespmem:s0+$0x3000] =	vst v0  }
0x95: {  	[tilespmem:s0+$0x3010] =	vst v0  }
.Ltmp2:
0x96: {  	[tilespmem:s0+$0x3020] =	vst v0;
	(pc) =	sbr.rel @p0 .LBB2_6-.Ltmp2, $4  }
0x97: {  	[tilespmem:s0+$0x3030] =	vst v0  }
0x98: {  	[tilespmem:s0+$0x3040] =	vst v0  }
0x99: {  	[tilespmem:s0+$0x3050] =	vst v0  }
0x9a: {  	[tilespmem:s0+$0x3060] =	vst v0;
	s0 =	sshra.s32 s3, $0x2;
	s3 =	sadd.s32 $0x200, s3  }
0x9b: {  	[tilespmem:s0+$0x3070] =	vst v0  }
0x9c: {  	[tilespmem:s0+$0x3000] =	vst v0  }
0x9d: {  	[tilespmem:s0+$0x3010] =	vst v0  }
0x9e: {  	[tilespmem:s0+$0x3020] =	vst v0  }
0x9f: {  	[tilespmem:s0+$0x3030] =	vst v0  }
0xa0: {  	[tilespmem:s0+$0x3040] =	vst v0  }
0xa1: {  	[tilespmem:s0+$0x3050] =	vst v0  }
0xa2: {  	[tilespmem:s0+$0x3060] =	vst v0  }
0xa3: {  	[spmem:s7] =	stream.linear.scatter [tilespmem:s17], [sflag:$0x4], $0x4000, $0x38;
	[tilespmem:$0x1E900] =	vst v63  }
0xa4: {  	_ =	swait.ge [sflag:s18], $0x4000  }
0xa5: {  	[sflag:s18] =	ssyncset.done $0x0  }
0xa6: {  	[sflag:s18] =	ssyncadd.s32 $0xFFFFC000  }
0xa7: {  	[spmem:s8] =	stream.linear.scatter [tilespmem:s17], [sflag:$0x4], $0x4000, $0x38;
	[tilespmem:$0x1E900] =	vst v63  }
0xa8: {  	_ =	swait.ge [sflag:s18], $0x4000  }
0xa9: {  	[sflag:s18] =	ssyncset.done $0x0  }
0xaa: {  	[sflag:s18] =	ssyncadd.s32 $0xFFFFC000  }
0xab: {  	[spmem:s9] =	stream.linear.scatter [tilespmem:s17], [sflag:$0x4], $0x4000, $0x38;
	[tilespmem:$0x1E900] =	vst v63  }
0xac: {  	_ =	swait.ge [sflag:s18], $0x4000  }
0xad: {  	[sflag:s18] =	ssyncset.done $0x0  }
0xae: {  	[sflag:s18] =	ssyncadd.s32 $0xFFFFC000  }
0xaf: {  	[spmem:s10] =	stream.linear.scatter [tilespmem:s17], [sflag:$0x4], $0x4000, $0x38;
	[tilespmem:$0x1E900] =	vst v63  }
0xb0: {  	_ =	swait.ge [sflag:s18], $0x4000  }
0xb1: {  	[sflag:s18] =	ssyncset.done $0x0  }
0xb2: {  	[sflag:s18] =	ssyncadd.s32 $0xFFFFC000  }
0xb3: {  	[spmem:s11] =	stream.linear.scatter [tilespmem:s17], [sflag:$0x4], $0x3900, $0x38;
	[tilespmem:$0x1E900] =	vst v63  }
0xb4: {  	_ =	swait.ge [sflag:s18], $0x3900  }
0xb5: {  	[sflag:s18] =	ssyncset.done $0x0  }
0xb6: {  	s0 =	simm.s32 $0x0;
	[sflag:s18] =	ssyncadd.s32 $0xFFFFC700  }
0xb7: {  	s3 =	simm.s32 $0x200;
	s15 =	simm.s32 $0x2800;
	[bflag:$0x0] =	sbarrier.arrive $0xFFFF  }
.LBB2_8:
0xb8: {  	p0 =	sne.s32 s3, $0xFE00;
	[tilespmem:s0+$0x3070] =	vst v1  }
0xb9: {  	[tilespmem:s0+$0x3000] =	vst v1  }
0xba: {  	[tilespmem:s0+$0x3010] =	vst v1  }
.Ltmp3:
0xbb: {  	[tilespmem:s0+$0x3020] =	vst v1;
	(pc) =	sbr.rel @p0 .LBB2_8-.Ltmp3, $4  }
0xbc: {  	[tilespmem:s0+$0x3030] =	vst v1  }
0xbd: {  	[tilespmem:s0+$0x3040] =	vst v1  }
0xbe: {  	[tilespmem:s0+$0x3050] =	vst v1  }
0xbf: {  	[tilespmem:s0+$0x3060] =	vst v1;
	s0 =	sshra.s32 s3, $0x2;
	s3 =	sadd.s32 $0x200, s3  }
0xc0: {  	[tilespmem:s0+$0x3070] =	vst v1  }
0xc1: {  	[tilespmem:s0+$0x3000] =	vst v1  }
0xc2: {  	[tilespmem:s0+$0x3010] =	vst v1  }
0xc3: {  	[tilespmem:s0+$0x3020] =	vst v1  }
0xc4: {  	[tilespmem:s0+$0x3030] =	vst v1  }
0xc5: {  	[tilespmem:s0+$0x3040] =	vst v1  }
0xc6: {  	[tilespmem:s0+$0x3050] =	vst v1  }
0xc7: {  	[tilespmem:s0+$0x3060] =	vst v1;
	s21 =	simm.s32 $0x0  }
0xc8: {  	[tilespmem:s15], [sflag:$0x3] =	stream.linear.gather [hbm4b:s13+s21], $0x400, $0x38;
	[tilespmem:$0x1E900] =	vst v63  }
0xc9: {  	s3 =	sand.u32 $0x7, s21  }
0xca: {  	p0 =	sne.s32 s3, $0x0  }
0xcb: {  	s3 =	simm.s32 @!p0 $0x0  }
0xcc: {  	s3 =	smin.u32 @!p0 s3, $0x8  }
0xcd: {  	s12 =	simm.s32 @!p0 $0x3;
	s3 =	sshll.u32 @!p0 s3, $0xA  }
0xce: {  	_ =	swait.ge @!p0 [sflag:s12], $0x400;
	s3 =	sadd.s32 @!p0 $0x400, s3  }
0xcf: {  	s0 =	sand.u32 $0x780, s21;
	[sflag:s12] =	ssyncset.done @!p0 $0x0;
	s14 =	sadd.s32 @!p0 s6, s3  }
0xd0: {  	[sflag:s12] =	ssyncadd.s32 @!p0 $0xFFFFFC00;
	s3 =	sand.u32 @!p0 $0x400, s3;
	s14 =	sshrl.u32 @!p0 s14, $0x3  }
0xd1: {  	s3 =	sor.u32 @!p0 $0x2800, s3;
	s12 =	sadd.s32 @!p0 s5, s14;
	s14 =	simm.s32 @!p0 $0x0  }
0xd2: {  	[tilespmem:s3], [sflag:$0x3] =	stream.linear.gather @!p0 [hbm4b:s12+s14], $0x400, $0x38;
	[tilespmem:$0x1E900] =	vst v63  }
0xd3: {  	s28 =	simm.s32 $0x1;
	s0 =	sor.u32 $0x2800, s0  }
0xd4: {  	[spmem:s2] =	stream.indirect.scatter.add.f32 [tilespmem:s17], [sflag:$0x4], $0x80, s0, s20, $0xb8;
	[tilespmem:$0x1E900] =	vst v63  }
0xd5: {  	s30 =	simm.s32 $0x2;
	s31 =	sand.u32 $0x7, s28;
	_ =	swait.ge [sflag:s18], $0x4000  }
0xd6: {  	s29 =	simm.s32 $0x80;
	p0 =	sne.s32 s31, $0x0;
	[sflag:s18] =	ssyncset.done $0x0  }
.LBB2_10:
0xd7: {  	s0 =	sshrl.u32 @!p0 s28, $0x3  }
0xd8: {  	[sflag:s18] =	ssyncadd.s32 $0xFFFFC000;
	s28 =	smov.u32 s30;
	s30 =	sadd.s32 $0x1, s30  }
0xd9: {  	p1 =	sne.s32 s30, $0x4F;
	s0 =	smin.u32 @!p0 s0, $0x8  }
0xda: {  	s0 =	sshll.u32 @!p0 s0, $0xA  }
0xdb: {  	s3 =	simm.s32 @!p0 $0x3;
	s12 =	sand.u32 $0x780, s29;
	s0 =	sadd.s32 @!p0 $0x400, s0  }
0xdc: {  	_ =	swait.ge @!p0 [sflag:s3], $0x400;
	s14 =	sadd.s32 @!p0 s6, s0;
	s0 =	sand.u32 @!p0 $0x400, s0  }
0xdd: {  	[sflag:s3] =	ssyncset.done @!p0 $0x0;
	s0 =	sor.u32 @!p0 $0x2800, s0;
	s14 =	sshrl.u32 @!p0 s14, $0x3  }
0xde: {  	[sflag:s3] =	ssyncadd.s32 @!p0 $0xFFFFFC00;
	s3 =	sadd.s32 @!p0 s5, s14;
	s14 =	simm.s32 @!p0 $0x0  }
0xdf: {  	[tilespmem:s0], [sflag:$0x3] =	stream.linear.gather @!p0 [hbm4b:s3+s14], $0x400, $0x38;
	[tilespmem:$0x1E900] =	vst v63  }
.Ltmp4:
0xe0: {  	_ = 	snop;
	(pc) =	sbr.rel @p1 .LBB2_10-.Ltmp4, $4  }
0xe1: {  	s0 =	sor.u32 $0x2800, s12  }
0xe2: {  	[spmem:s2] =	stream.indirect.scatter.add.f32 [tilespmem:s17], [sflag:$0x4], $0x80, s0, s20, $0xb8;
	[tilespmem:$0x1E900] =	vst v63  }
0xe3: {  	s0 =	sand.u32 $0x7, s28;
	_ =	swait.ge [sflag:s18], $0x4000  }
0xe4: {  	s29 =	sadd.s32 $0x80, s29;
	p0 =	sne.s32 s0, $0x0;
	[sflag:s18] =	ssyncset.done $0x0  }
0xe5: {  	s0 =	sshrl.u32 @!p0 s28, $0x3  }
0xe6: {  	s0 =	smin.u32 @!p0 s0, $0x8  }
0xe7: {  	[sflag:s18] =	ssyncadd.s32 $0xFFFFC000;
	s3 =	simm.s32 @!p0 $0x3;
	s0 =	sshll.u32 @!p0 s0, $0xA  }
0xe8: {  	_ =	swait.ge @!p0 [sflag:s3], $0x400;
	s0 =	sadd.s32 @!p0 $0x400, s0  }
0xe9: {  	s12 =	sand.u32 $0x780, s29;
	[sflag:s3] =	ssyncset.done @!p0 $0x0;
	s14 =	sadd.s32 @!p0 s6, s0  }
0xea: {  	[sflag:s3] =	ssyncadd.s32 @!p0 $0xFFFFFC00;
	s0 =	sand.u32 @!p0 $0x400, s0;
	s14 =	sshrl.u32 @!p0 s14, $0x3  }
0xeb: {  	s0 =	sor.u32 @!p0 $0x2800, s0;
	s3 =	sadd.s32 @!p0 s5, s14;
	s14 =	simm.s32 @!p0 $0x0  }
0xec: {  	[tilespmem:s0], [sflag:$0x3] =	stream.linear.gather @!p0 [hbm4b:s3+s14], $0x400, $0x38;
	[tilespmem:$0x1E900] =	vst v63  }
0xed: {  	s30 =	sor.u32 $0x2800, s12  }
0xee: {  	[spmem:s2] =	stream.indirect.scatter.add.f32 [tilespmem:s17], [sflag:$0x4], $0x80, s30, s20, $0xb8;
	[tilespmem:$0x1E900] =	vst v63  }
0xef: {  	_ =	swait.ge [sflag:s18], $0x4000  }
0xf0: {  	[sflag:s18] =	ssyncset.done $0x0  }
0xf1: {  	[sflag:s18] =	ssyncadd.s32 $0xFFFFC000  }
0xf2: {  	_ =	swait.ge [sflag:s24], $0x400  }
0xf3: {  	[sflag:s24] =	ssyncset.done $0x0  }
0xf4: {  	s4 =	sadd.s32 $0x1, s4;
	[sflag:s24] =	ssyncadd.s32 $0xFFFFFC00  }
0xf5: {  	p0 =	sne.s32 s4, s16;
	[bflag:$0x0] =	sbarrier.arrive $0xFFFF  }
.Ltmp5:
0xf6: {  	s31 =	rddreg [dreg:$0x7];
	(pc) =	sbr.rel @p0 .LBB2_1-.Ltmp5, $4  }
0xf7: {  	[hbm:s31], [sflag:s25] =	dma.local [spmem:s26], $0x2720  }
0xf8: {  	_ =	swait.ge [sflag:s18], $0x2720  }
0xf9: {  	[sflag:s18] =	ssyncset.done $0x0  }
0xfa: {  	[sflag:s18] =	ssyncadd.s32 $0xFFFFD8E0  }
0xfb: {  	_ =	sfence.sel $0x180000  }
0xfc: {  	[bflag:$0x0] =	sbarrier.arrive $0xFFFF  }
0xfd: {  	_ =	strace $0x90000047  }
0xfe: {  	s0 =	stileid.u32;
	[bflag:$0x2] =	sbarrier.arrive $0xFFFF  }
0xff: {  	p0 =	sne.s32 s0, $0x0;
	s0 =	rddreg [dreg:$0x4]  }
0x100: {  	s0 =	sadd.s32 @!p0 $0x100000, s0  }
0x101: {  	[sflag:s0] =	ssyncadd.tile.s32 @!p0 $0x1;
	_ =	shalt  }
.Lfunc_end2:
_tile_overlayer_lowered:
.L_overlay_start_2:
0x102: {  	(tag) =	ssettag $0x2  }
0x103: {  	s0 =	rddreg [dreg:$0x0];
	s2 =	stileid.u32  }
0x104: {  	s1 =	rddreg [dreg:$0x1];
	p0 =	sne.s32 s2, $0x0  }
0x105: {  	s3 =	rddreg [dreg:$0x2];
	[bflag:$0x3] =	sbarrier.arrive $0xFFFF;
	s2 =	simm.s32 @!p0 $0x1C04  }
0x106: {  	[timem:s3], [sflag:s2] =	dma.local @!p0 [hbm:s0], s1  }
0x107: {  	s0 =	simm.s32 @!p0 $0x4  }
0x108: {  	_ =	swait.ge @!p0 [sflag:s0], s1  }
0x109: {  	s1 =	ssub.s32 @!p0 $0x0, s1;
	[sflag:s0] =	ssyncset.done @!p0 $0x0  }
0x10a: {  	[sflag:s0] =	ssyncadd.s32 @!p0 s1  }
0x10b: {  	[bflag:$0x3] =	sbarrier.arrive $0xFFFF  }
0x10c: {  	_ =	shalt  }

</sc_bundles>
